<compile_context>
chip_gen: v7x
topology: tpu7x:2x2x1
jax: 0.10.2.dev20260603
libtpu: 0.0.44.dev20260713+nightly
codegen_flags: <defaults>
</compile_context>

<pallas_src>
import functools

import jax
import jax.numpy as jnp
from jax import lax
from jax.experimental import pallas as pl
from jax.experimental.pallas import tpu as pltpu
from jax.experimental.pallas import tpu_sc as plsc

_N = 10000
_E = 320000
_F = 128

_NC = 2
_NS = 16
_NW = _NC * _NS
_EPW = _E // _NW
_K = 80
_CHUNKS = _EPW // _K
_WT = 10
_RPT = _N // _WT
_ZR = 40


def _sc_scatter_body(src_hbm, dst_hbm, h_hbm, out_hbm,
                     sidx0_v, sidx1_v, sidx2_v, dst_v,
                     rows0_v, rows1_v, rows2_v, agg_sh,
                     gsem0, gsem1, gsem2, isem0, isem1, isem2,
                     ssem0, ssem1, ssem2):
    cid = lax.axis_index("c")
    sid = lax.axis_index("s")
    wid = cid * _NS + sid

    rows = (rows0_v, rows1_v, rows2_v)
    sidx = (sidx0_v, sidx1_v, sidx2_v)
    gsem = (gsem0, gsem1, gsem2)
    isem = (isem0, isem1, isem2)
    ssem = (ssem0, ssem1, ssem2)

    def _idx_load(j, b):
        pltpu.async_copy(src_hbm.at[wid, j], sidx[b], isem[b])

    def _idx_wait(b):
        pltpu.make_async_copy(src_hbm.at[wid, 0], sidx[b], isem[b]).wait()

    def _gather(b):
        pltpu.async_copy(h_hbm.at[sidx[b]], rows[b], gsem[b])

    def _gather_wait(b):
        pltpu.make_async_copy(h_hbm.at[sidx[b]], rows[b], gsem[b]).wait()

    def _scatter(j, b):
        pltpu.async_copy(rows[b], agg_sh.at[dst_v.at[j]], ssem[b], add=True)

    def _scatter_wait(b):
        pltpu.make_async_copy(rows[b], agg_sh.at[dst_v.at[0]],
                              ssem[b]).wait()

    @pl.when(sid < _WT)
    def _zfill():
        def _zrow(i, carry):
            for cbase in range(_F // 16):
                rows2_v[i, pl.ds(cbase * 16, 16)] = jnp.zeros((16,),
                                                              jnp.float32)
            return carry
        lax.fori_loop(0, _ZR, _zrow, 0)
        for r in range(_RPT // _ZR):
            pltpu.async_copy(rows2_v.at[pl.ds(0, _ZR)],
                             agg_sh.at[pl.ds(sid * _RPT + r * _ZR, _ZR)],
                             ssem0)

    pltpu.sync_copy(dst_hbm.at[wid], dst_v)
    pltpu.sync_copy(src_hbm.at[wid, 0], sidx0_v)
    _gather(0)
    _idx_load(1, 1)
    _idx_load(2, 2)
    _idx_wait(1)
    _gather(1)

    @pl.when(sid < _WT)
    def _zdrain():
        for r in range(_RPT // _ZR):
            pltpu.make_async_copy(rows2_v.at[pl.ds(0, _ZR)],
                                  agg_sh.at[pl.ds(0, _ZR)], ssem0).wait()
    plsc.subcore_barrier()

    def _triple(t, carry):
        j_base = 3 * t
        for o in range(3):
            j = j_base + o
            b = o
            b2 = (o + 2) % 3
            _gather_wait(b)
            _scatter(j, b)

            @pl.when(j >= 1)
            def _():
                _scatter_wait(b2)
            _idx_wait(b2)
            _gather(b2)

            @pl.when(j + 3 < _CHUNKS)
            def _():
                _idx_load(j + 3, b)
        return carry

    lax.fori_loop(0, _CHUNKS // 3, _triple, 0)
    _gather_wait(0)
    _scatter(_CHUNKS - 2, 0)
    _gather_wait(1)
    _scatter(_CHUNKS - 1, 1)
    _scatter_wait(2)
    _scatter_wait(0)
    _scatter_wait(1)
    plsc.subcore_barrier()

    @pl.when(sid < _NS - 1)
    def _writeout():
        pltpu.sync_copy(agg_sh.at[pl.ds(sid * 624, 624)],
                        out_hbm.at[cid, pl.ds(sid * 624, 624)])

    @pl.when(sid == _NS - 1)
    def _writeout_last():
        pltpu.sync_copy(agg_sh.at[pl.ds((_NS - 1) * 624, _N - (_NS - 1) * 624)],
                        out_hbm.at[cid, pl.ds((_NS - 1) * 624,
                                              _N - (_NS - 1) * 624)])


_sc_scatter = functools.partial(
    pl.kernel,
    out_type=jax.ShapeDtypeStruct((_NC, _N, _F), jnp.float32),
    mesh=plsc.VectorSubcoreMesh(core_axis_name="c", subcore_axis_name="s",
                                num_cores=_NC, num_subcores=_NS),
    scratch_types=[
        pltpu.VMEM((_K,), jnp.int32),
        pltpu.VMEM((_K,), jnp.int32),
        pltpu.VMEM((_K,), jnp.int32),
        pltpu.VMEM((_CHUNKS, _K), jnp.int32),
        pltpu.VMEM((_K, _F), jnp.float32),
        pltpu.VMEM((_K, _F), jnp.float32),
        pltpu.VMEM((_K, _F), jnp.float32),
        pltpu.VMEM_SHARED((_N, _F), jnp.float32),
        pltpu.SemaphoreType.DMA,
        pltpu.SemaphoreType.DMA,
        pltpu.SemaphoreType.DMA,
        pltpu.SemaphoreType.DMA,
        pltpu.SemaphoreType.DMA,
        pltpu.SemaphoreType.DMA,
        pltpu.SemaphoreType.DMA,
        pltpu.SemaphoreType.DMA,
        pltpu.SemaphoreType.DMA,
    ],
)(_sc_scatter_body)


def _tc_epilogue_body(h_ref, prev_ref, norm_ref, agg0_ref, agg1_ref,
                      wl_ref, wsk_ref, b_ref, out_ref):
    prev = prev_ref[...]
    sw = jax.nn.sigmoid(
        jnp.dot(prev, wsk_ref[...], preferred_element_type=jnp.float32)
        + b_ref[...])
    lm = jnp.dot(h_ref[...], wl_ref[...], preferred_element_type=jnp.float32)
    node = (agg0_ref[...] + agg1_ref[...]) * norm_ref[...] + lm
    out = sw * node + (1.0 - sw) * prev
    u = lax.bitcast_convert_type(out, jnp.uint32)
    lsb = (u >> 13) & jnp.uint32(1)
    u = (u + jnp.uint32(0x0FFF) + lsb) & jnp.uint32(0xFFFFE000)
    out_ref[...] = lax.bitcast_convert_type(u, jnp.float32)


def _tc_epilogue(h, prev_h, norm, agg0, agg1, wl, wsk, b):
    blk = 1000
    grid = (_N // blk,)
    row_spec = pl.BlockSpec((blk, _F), lambda i: (i, 0))
    full_spec = pl.BlockSpec((_F, _F), lambda i: (0, 0))
    return pl.pallas_call(
        _tc_epilogue_body,
        grid=grid,
        in_specs=[
            row_spec,
            row_spec,
            pl.BlockSpec((blk, 1), lambda i: (i, 0)),
            row_spec,
            row_spec,
            full_spec,
            full_spec,
            pl.BlockSpec((1, _F), lambda i: (0, 0)),
        ],
        out_specs=row_spec,
        out_shape=jax.ShapeDtypeStruct((_N, _F), jnp.float32),
    )(h, prev_h, norm, agg0, agg1, wl, wsk, b)


def kernel(h, norm, prev_h, loop_weight, skip_connect_weight,
           skip_connect_bias, edge_index):
    src = edge_index[0].reshape(_NW, _CHUNKS, _K)
    dst = edge_index[1].reshape(_NW, _CHUNKS, _K)
    parts = _sc_scatter(src, dst, h)
    return _tc_epilogue(h, prev_h, norm, parts[0], parts[1],
                        loop_weight, skip_connect_weight,
                        skip_connect_bias.reshape(1, _F))

# --- scband reference (transcript-rebuilt; emitter-appended) ---
"""Pipeline reference for scband-rgcnlayer-11536282157151 (READ-ONLY COPY).

The authoritative reference and input builder live on the scoring server;
editing this copy changes nothing except your own understanding.
"""

import jax, jax.numpy as jnp
import numpy as np

N = 10000
E = 320000
IN_FEAT = 128
OUT_FEAT = 128


def _xavier_uniform(key, shape, gain):
    fan_in, fan_out = shape[0], shape[1]
    limit = gain * np.sqrt(6.0 / (fan_in + fan_out))
    return jax.random.uniform(key, shape, dtype=jnp.float32, minval=-limit, maxval=limit)


def setup_inputs(seed: int = 0):
    key = jax.random.key(seed)
    k1, k2, k3, k4, k5, k6 = jax.random.split(key, 6)
    relu_gain = float(np.sqrt(2.0))
    h = jax.random.normal(k1, (N, IN_FEAT), dtype=jnp.float32)
    norm = jax.random.uniform(k2, (N, 1), dtype=jnp.float32)
    prev_h = jax.random.normal(k3, (N, OUT_FEAT), dtype=jnp.float32)
    edge_index = jax.random.randint(k4, (2, E), 0, N, dtype=jnp.int32)
    loop_weight = _xavier_uniform(k5, (IN_FEAT, OUT_FEAT), relu_gain)
    skip_connect_weight = _xavier_uniform(k6, (OUT_FEAT, OUT_FEAT), relu_gain)
    skip_connect_bias = jnp.zeros((OUT_FEAT,), dtype=jnp.float32)
    return {
        'h': h,
        'norm': norm,
        'prev_h': prev_h,
        'loop_weight': loop_weight,
        'skip_connect_weight': skip_connect_weight,
        'skip_connect_bias': skip_connect_bias,
        'edge_index': edge_index,
    }


def reference(h, norm, prev_h, loop_weight, skip_connect_weight, skip_connect_bias, edge_index):
    # skip-connect gate: sigmoid(prev_h @ W_skip + b_skip)
    skip_weight = jax.nn.sigmoid(jnp.dot(prev_h, skip_connect_weight) + skip_connect_bias)
    # self-loop message (dropout=0.0 so identity)
    loop_message = jnp.dot(h, loop_weight)
    # propagate: copy-src message, sum reduce, apply dst norm (standard DGL RGCN apply)
    src = edge_index[0]
    dst = edge_index[1]
    messages = jnp.take(h, src, axis=0)
    agg = jnp.zeros((N, OUT_FEAT), dtype=h.dtype).at[dst].add(messages)
    node_repr = agg * norm
    # self-loop add, then gated skip mix
    node_repr = node_repr + loop_message
    node_repr = skip_weight * node_repr + (1.0 - skip_weight) * prev_h
    # half -> float roundtrip as in the torch module
    node_repr = node_repr.astype(jnp.float16).astype(jnp.float32)
    return node_repr

if __name__ == "__main__":
    import jax
    _d = setup_inputs()
    print(jax.jit(kernel)(*tuple(_d.values())))

</pallas_src>

<mosaic_0001>
#map = affine_map<(d0, d1) -> (0, 0, 0)>
#map1 = affine_map<(d0, d1) -> (0, 0)>
module attributes {stable_mosaic.version = 14 : i64} {
  func.func @_sc_scatter_body(%arg0: i32, %arg1: i32, %arg2: memref<32x125x80xi32, #tpu.memory_space<hbm>>, %arg3: memref<32x125x80xi32, #tpu.memory_space<hbm>>, %arg4: memref<10000x128xf32, #tpu.memory_space<hbm>>, %arg5: memref<2x10000x128xf32, #tpu.memory_space<hbm>>, %arg6: memref<80xi32, #tpu.memory_space<vmem>>, %arg7: memref<80xi32, #tpu.memory_space<vmem>>, %arg8: memref<80xi32, #tpu.memory_space<vmem>>, %arg9: memref<125x80xi32, #tpu.memory_space<vmem>>, %arg10: memref<80x128xf32, #tpu.memory_space<vmem>>, %arg11: memref<80x128xf32, #tpu.memory_space<vmem>>, %arg12: memref<80x128xf32, #tpu.memory_space<vmem>>, %arg13: memref<10000x128xf32, #tpu.memory_space<vmem_shared>>, %arg14: memref<!tpu.dma_semaphore, #tpu.memory_space<semaphore_mem>>, %arg15: memref<!tpu.dma_semaphore, #tpu.memory_space<semaphore_mem>>, %arg16: memref<!tpu.dma_semaphore, #tpu.memory_space<semaphore_mem>>, %arg17: memref<!tpu.dma_semaphore, #tpu.memory_space<semaphore_mem>>, %arg18: memref<!tpu.dma_semaphore, #tpu.memory_space<semaphore_mem>>, %arg19: memref<!tpu.dma_semaphore, #tpu.memory_space<semaphore_mem>>, %arg20: memref<!tpu.dma_semaphore, #tpu.memory_space<semaphore_mem>>, %arg21: memref<!tpu.dma_semaphore, #tpu.memory_space<semaphore_mem>>, %arg22: memref<!tpu.dma_semaphore, #tpu.memory_space<semaphore_mem>>) attributes {dimension_semantics = [#tpu.dimension_semantics<core_parallel>, #tpu.dimension_semantics<subcore_parallel>], iteration_bounds = array<i64: 2, 16>, scalar_prefetch = 0 : i64, scratch_operands = 17 : i64, tpu.core_type = #tpu.core_type<sc_vector_subcore>, window_params = [{transform_indices = #map}, {transform_indices = #map}, {transform_indices = #map1}, {transform_indices = #map}]} {
    %mul3A = arith.constant 16 : i32
    %mul3A_0 = arith.muli %arg0, %mul3A : i32
    %add3A = arith.addi %mul3A_0, %arg1 : i32
    %lt3A = arith.constant 10 : i32
    %lt3A_1 = arith.cmpi slt, %arg1, %lt3A : i32
    %convert_element_type3A = arith.extui %lt3A_1 : i1 to i32
    %cond3A = arith.constant 0 : i32
    %cond3A_2 = arith.cmpi ne, %convert_element_type3A, %cond3A : i32
    scf.if %cond3A_2 {
      %scan3A_89 = arith.constant 0 : i32
      %scan3A_90 = arith.constant 0 : i32
      %scan3A_91 = arith.constant 40 : i32
      %scan3A_92 = arith.addi %scan3A_90, %scan3A_91 : i32
      %scan3A_93 = arith.constant 1 : i32
      scf.for %scan3A_445 = %scan3A_90 to %scan3A_92 step %scan3A_93  : i32 {
        %broadcast_in_dim3A = arith.constant 0.000000e+00 : f32
        %broadcast_in_dim3A_446 = vector.broadcast %broadcast_in_dim3A : f32 to vector<16xf32>
        %swap3A = arith.index_cast %scan3A_445 : i32 to index
        %swap3A_447 = arith.constant 0 : index
        %swap3A_448 = tpu.vector_load %arg12[%swap3A, %swap3A_447] {strides = array<i32>} : memref<80x128xf32, #tpu.memory_space<vmem>>, vector<1x16xf32>,
        %swap3A_449 = vector.shape_cast %swap3A_448 : vector<1x16xf32> to vector<16xf32>
        %swap3A_450 = vector.shape_cast %broadcast_in_dim3A_446 : vector<16xf32> to vector<1x16xf32>
        tpu.vector_store %arg12[%swap3A, %swap3A_447], %swap3A_450 {strides = array<i32>} : memref<80x128xf32, #tpu.memory_space<vmem>>, vector<1x16xf32>,
        %broadcast_in_dim3A_451 = arith.constant 0.000000e+00 : f32
        %broadcast_in_dim3A_452 = vector.broadcast %broadcast_in_dim3A_451 : f32 to vector<16xf32>
        %swap3A_453 = arith.index_cast %scan3A_445 : i32 to index
        %swap3A_454 = arith.constant 16 : index
        %swap3A_455 = tpu.vector_load %arg12[%swap3A_453, %swap3A_454] {strides = array<i32>} : memref<80x128xf32, #tpu.memory_space<vmem>>, vector<1x16xf32>,
        %swap3A_456 = vector.shape_cast %swap3A_455 : vector<1x16xf32> to vector<16xf32>
        %swap3A_457 = vector.shape_cast %broadcast_in_dim3A_452 : vector<16xf32> to vector<1x16xf32>
        tpu.vector_store %arg12[%swap3A_453, %swap3A_454], %swap3A_457 {strides = array<i32>} : memref<80x128xf32, #tpu.memory_space<vmem>>, vector<1x16xf32>,
        %broadcast_in_dim3A_458 = arith.constant 0.000000e+00 : f32
        %broadcast_in_dim3A_459 = vector.broadcast %broadcast_in_dim3A_458 : f32 to vector<16xf32>
        %swap3A_460 = arith.index_cast %scan3A_445 : i32 to index
        %swap3A_461 = arith.constant 32 : index
        %swap3A_462 = tpu.vector_load %arg12[%swap3A_460, %swap3A_461] {strides = array<i32>} : memref<80x128xf32, #tpu.memory_space<vmem>>, vector<1x16xf32>,
        %swap3A_463 = vector.shape_cast %swap3A_462 : vector<1x16xf32> to vector<16xf32>
        %swap3A_464 = vector.shape_cast %broadcast_in_dim3A_459 : vector<16xf32> to vector<1x16xf32>
        tpu.vector_store %arg12[%swap3A_460, %swap3A_461], %swap3A_464 {strides = array<i32>} : memref<80x128xf32, #tpu.memory_space<vmem>>, vector<1x16xf32>,
        %broadcast_in_dim3A_465 = arith.constant 0.000000e+00 : f32
        %broadcast_in_dim3A_466 = vector.broadcast %broadcast_in_dim3A_465 : f32 to vector<16xf32>
        %swap3A_467 = arith.index_cast %scan3A_445 : i32 to index
        %swap3A_468 = arith.constant 48 : index
        %swap3A_469 = tpu.vector_load %arg12[%swap3A_467, %swap3A_468] {strides = array<i32>} : memref<80x128xf32, #tpu.memory_space<vmem>>, vector<1x16xf32>,
        %swap3A_470 = vector.shape_cast %swap3A_469 : vector<1x16xf32> to vector<16xf32>
        %swap3A_471 = vector.shape_cast %broadcast_in_dim3A_466 : vector<16xf32> to vector<1x16xf32>
        tpu.vector_store %arg12[%swap3A_467, %swap3A_468], %swap3A_471 {strides = array<i32>} : memref<80x128xf32, #tpu.memory_space<vmem>>, vector<1x16xf32>,
        %broadcast_in_dim3A_472 = arith.constant 0.000000e+00 : f32
        %broadcast_in_dim3A_473 = vector.broadcast %broadcast_in_dim3A_472 : f32 to vector<16xf32>
        %swap3A_474 = arith.index_cast %scan3A_445 : i32 to index
        %swap3A_475 = arith.constant 64 : index
        %swap3A_476 = tpu.vector_load %arg12[%swap3A_474, %swap3A_475] {strides = array<i32>} : memref<80x128xf32, #tpu.memory_space<vmem>>, vector<1x16xf32>,
        %swap3A_477 = vector.shape_cast %swap3A_476 : vector<1x16xf32> to vector<16xf32>
        %swap3A_478 = vector.shape_cast %broadcast_in_dim3A_473 : vector<16xf32> to vector<1x16xf32>
        tpu.vector_store %arg12[%swap3A_474, %swap3A_475], %swap3A_478 {strides = array<i32>} : memref<80x128xf32, #tpu.memory_space<vmem>>, vector<1x16xf32>,
        %broadcast_in_dim3A_479 = arith.constant 0.000000e+00 : f32
        %broadcast_in_dim3A_480 = vector.broadcast %broadcast_in_dim3A_479 : f32 to vector<16xf32>
        %swap3A_481 = arith.index_cast %scan3A_445 : i32 to index
        %swap3A_482 = arith.constant 80 : index
        %swap3A_483 = tpu.vector_load %arg12[%swap3A_481, %swap3A_482] {strides = array<i32>} : memref<80x128xf32, #tpu.memory_space<vmem>>, vector<1x16xf32>,
        %swap3A_484 = vector.shape_cast %swap3A_483 : vector<1x16xf32> to vector<16xf32>
        %swap3A_485 = vector.shape_cast %broadcast_in_dim3A_480 : vector<16xf32> to vector<1x16xf32>
        tpu.vector_store %arg12[%swap3A_481, %swap3A_482], %swap3A_485 {strides = array<i32>} : memref<80x128xf32, #tpu.memory_space<vmem>>, vector<1x16xf32>,
        %broadcast_in_dim3A_486 = arith.constant 0.000000e+00 : f32
        %broadcast_in_dim3A_487 = vector.broadcast %broadcast_in_dim3A_486 : f32 to vector<16xf32>
        %swap3A_488 = arith.index_cast %scan3A_445 : i32 to index
        %swap3A_489 = arith.constant 96 : index
        %swap3A_490 = tpu.vector_load %arg12[%swap3A_488, %swap3A_489] {strides = array<i32>} : memref<80x128xf32, #tpu.memory_space<vmem>>, vector<1x16xf32>,
        %swap3A_491 = vector.shape_cast %swap3A_490 : vector<1x16xf32> to vector<16xf32>
        %swap3A_492 = vector.shape_cast %broadcast_in_dim3A_487 : vector<16xf32> to vector<1x16xf32>
        tpu.vector_store %arg12[%swap3A_488, %swap3A_489], %swap3A_492 {strides = array<i32>} : memref<80x128xf32, #tpu.memory_space<vmem>>, vector<1x16xf32>,
        %broadcast_in_dim3A_493 = arith.constant 0.000000e+00 : f32
        %broadcast_in_dim3A_494 = vector.broadcast %broadcast_in_dim3A_493 : f32 to vector<16xf32>
        %swap3A_495 = arith.index_cast %scan3A_445 : i32 to index
        %swap3A_496 = arith.constant 112 : index
        %swap3A_497 = tpu.vector_load %arg12[%swap3A_495, %swap3A_496] {strides = array<i32>} : memref<80x128xf32, #tpu.memory_space<vmem>>, vector<1x16xf32>,
        %swap3A_498 = vector.shape_cast %swap3A_497 : vector<1x16xf32> to vector<16xf32>
        %swap3A_499 = vector.shape_cast %broadcast_in_dim3A_494 : vector<16xf32> to vector<1x16xf32>
        tpu.vector_store %arg12[%swap3A_495, %swap3A_496], %swap3A_499 {strides = array<i32>} : memref<80x128xf32, #tpu.memory_space<vmem>>, vector<1x16xf32>,
      }
      %scan3A_94 = arith.constant 40 : i32
      %mul3A_95 = arith.constant 1000 : i32
      %mul3A_96 = arith.muli %arg1, %mul3A_95 : i32
      %add3A_97 = arith.constant 0 : i32
      %add3A_98 = arith.addi %mul3A_96, %add3A_97 : i32
      %dma_start3A_99 = arith.constant 0 : i32
      %dma_start3A_100 = arith.constant 0 : i32
      %dma_start3A_101 = tpu.memref_slice %arg12[%dma_start3A_99, %dma_start3A_100] : memref<80x128xf32, #tpu.memory_space<vmem>> -> memref<40x128xf32, #tpu.memory_space<vmem>>
      %dma_start3A_102 = arith.constant 0 : i32
      %dma_start3A_103 = tpu.memref_slice %arg13[%add3A_98, %dma_start3A_102] : memref<10000x128xf32, #tpu.memory_space<vmem_shared>> -> memref<40x128xf32, #tpu.memory_space<vmem_shared>>
      %dma_start3A_104 = arith.constant 0 : i32
      %dma_start3A_105 = tpu.memref_slice %arg13[%add3A_98, %dma_start3A_104] : memref<10000x128xf32, #tpu.memory_space<vmem_shared>> -> memref<40x128xf32, #tpu.memory_space<vmem_shared>>
      %dma_start3A_106 = arith.constant 0 : i32
      %dma_start3A_107 = arith.constant 0 : i32
      %dma_start3A_108 = tpu.memref_slice %arg12[%dma_start3A_106, %dma_start3A_107] : memref<80x128xf32, #tpu.memory_space<vmem>> -> memref<40x128xf32, #tpu.memory_space<vmem>>
      tpu.enqueue_dma source(%dma_start3A_108 : memref<40x128xf32, #tpu.memory_space<vmem>>) target(%dma_start3A_105 : memref<40x128xf32, #tpu.memory_space<vmem_shared>>) target_semaphore(%arg20 : memref<!tpu.dma_semaphore, #tpu.memory_space<semaphore_mem>>)
      %mul3A_109 = arith.constant 1000 : i32
      %mul3A_110 = arith.muli %arg1, %mul3A_109 : i32
      %add3A_111 = arith.constant 40 : i32
      %add3A_112 = arith.addi %mul3A_110, %add3A_111 : i32
      %dma_start3A_113 = arith.constant 0 : i32
      %dma_start3A_114 = arith.constant 0 : i32
      %dma_start3A_115 = tpu.memref_slice %arg12[%dma_start3A_113, %dma_start3A_114] : memref<80x128xf32, #tpu.memory_space<vmem>> -> memref<40x128xf32, #tpu.memory_space<vmem>>
      %dma_start3A_116 = arith.constant 0 : i32
      %dma_start3A_117 = tpu.memref_slice %arg13[%add3A_112, %dma_start3A_116] : memref<10000x128xf32, #tpu.memory_space<vmem_shared>> -> memref<40x128xf32, #tpu.memory_space<vmem_shared>>
      %dma_start3A_118 = arith.constant 0 : i32
      %dma_start3A_119 = tpu.memref_slice %arg13[%add3A_112, %dma_start3A_118] : memref<10000x128xf32, #tpu.memory_space<vmem_shared>> -> memref<40x128xf32, #tpu.memory_space<vmem_shared>>
      %dma_start3A_120 = arith.constant 0 : i32
      %dma_start3A_121 = arith.constant 0 : i32
      %dma_start3A_122 = tpu.memref_slice %arg12[%dma_start3A_120, %dma_start3A_121] : memref<80x128xf32, #tpu.memory_space<vmem>> -> memref<40x128xf32, #tpu.memory_space<vmem>>
      tpu.enqueue_dma source(%dma_start3A_122 : memref<40x128xf32, #tpu.memory_space<vmem>>) target(%dma_start3A_119 : memref<40x128xf32, #tpu.memory_space<vmem_shared>>) target_semaphore(%arg20 : memref<!tpu.dma_semaphore, #tpu.memory_space<semaphore_mem>>)
      %mul3A_123 = arith.constant 1000 : i32
      %mul3A_124 = arith.muli %arg1, %mul3A_123 : i32
      %add3A_125 = arith.constant 80 : i32
      %add3A_126 = arith.addi %mul3A_124, %add3A_125 : i32
      %dma_start3A_127 = arith.constant 0 : i32
      %dma_start3A_128 = arith.constant 0 : i32
      %dma_start3A_129 = tpu.memref_slice %arg12[%dma_start3A_127, %dma_start3A_128] : memref<80x128xf32, #tpu.memory_space<vmem>> -> memref<40x128xf32, #tpu.memory_space<vmem>>
      %dma_start3A_130 = arith.constant 0 : i32
      %dma_start3A_131 = tpu.memref_slice %arg13[%add3A_126, %dma_start3A_130] : memref<10000x128xf32, #tpu.memory_space<vmem_shared>> -> memref<40x128xf32, #tpu.memory_space<vmem_shared>>
      %dma_start3A_132 = arith.constant 0 : i32
      %dma_start3A_133 = tpu.memref_slice %arg13[%add3A_126, %dma_start3A_132] : memref<10000x128xf32, #tpu.memory_space<vmem_shared>> -> memref<40x128xf32, #tpu.memory_space<vmem_shared>>
      %dma_start3A_134 = arith.constant 0 : i32
      %dma_start3A_135 = arith.constant 0 : i32
      %dma_start3A_136 = tpu.memref_slice %arg12[%dma_start3A_134, %dma_start3A_135] : memref<80x128xf32, #tpu.memory_space<vmem>> -> memref<40x128xf32, #tpu.memory_space<vmem>>
      tpu.enqueue_dma source(%dma_start3A_136 : memref<40x128xf32, #tpu.memory_space<vmem>>) target(%dma_start3A_133 : memref<40x128xf32, #tpu.memory_space<vmem_shared>>) target_semaphore(%arg20 : memref<!tpu.dma_semaphore, #tpu.memory_space<semaphore_mem>>)
      %mul3A_137 = arith.constant 1000 : i32
      %mul3A_138 = arith.muli %arg1, %mul3A_137 : i32
      %add3A_139 = arith.constant 120 : i32
      %add3A_140 = arith.addi %mul3A_138, %add3A_139 : i32
      %dma_start3A_141 = arith.constant 0 : i32
      %dma_start3A_142 = arith.constant 0 : i32
      %dma_start3A_143 = tpu.memref_slice %arg12[%dma_start3A_141, %dma_start3A_142] : memref<80x128xf32, #tpu.memory_space<vmem>> -> memref<40x128xf32, #tpu.memory_space<vmem>>
      %dma_start3A_144 = arith.constant 0 : i32
      %dma_start3A_145 = tpu.memref_slice %arg13[%add3A_140, %dma_start3A_144] : memref<10000x128xf32, #tpu.memory_space<vmem_shared>> -> memref<40x128xf32, #tpu.memory_space<vmem_shared>>
      %dma_start3A_146 = arith.constant 0 : i32
      %dma_start3A_147 = tpu.memref_slice %arg13[%add3A_140, %dma_start3A_146] : memref<10000x128xf32, #tpu.memory_space<vmem_shared>> -> memref<40x128xf32, #tpu.memory_space<vmem_shared>>
      %dma_start3A_148 = arith.constant 0 : i32
      %dma_start3A_149 = arith.constant 0 : i32
      %dma_start3A_150 = tpu.memref_slice %arg12[%dma_start3A_148, %dma_start3A_149] : memref<80x128xf32, #tpu.memory_space<vmem>> -> memref<40x128xf32, #tpu.memory_space<vmem>>
      tpu.enqueue_dma source(%dma_start3A_150 : memref<40x128xf32, #tpu.memory_space<vmem>>) target(%dma_start3A_147 : memref<40x128xf32, #tpu.memory_space<vmem_shared>>) target_semaphore(%arg20 : memref<!tpu.dma_semaphore, #tpu.memory_space<semaphore_mem>>)
      %mul3A_151 = arith.constant 1000 : i32
      %mul3A_152 = arith.muli %arg1, %mul3A_151 : i32
      %add3A_153 = arith.constant 160 : i32
      %add3A_154 = arith.addi %mul3A_152, %add3A_153 : i32
      %dma_start3A_155 = arith.constant 0 : i32
      %dma_start3A_156 = arith.constant 0 : i32
      %dma_start3A_157 = tpu.memref_slice %arg12[%dma_start3A_155, %dma_start3A_156] : memref<80x128xf32, #tpu.memory_space<vmem>> -> memref<40x128xf32, #tpu.memory_space<vmem>>
      %dma_start3A_158 = arith.constant 0 : i32
      %dma_start3A_159 = tpu.memref_slice %arg13[%add3A_154, %dma_start3A_158] : memref<10000x128xf32, #tpu.memory_space<vmem_shared>> -> memref<40x128xf32, #tpu.memory_space<vmem_shared>>
      %dma_start3A_160 = arith.constant 0 : i32
      %dma_start3A_161 = tpu.memref_slice %arg13[%add3A_154, %dma_start3A_160] : memref<10000x128xf32, #tpu.memory_space<vmem_shared>> -> memref<40x128xf32, #tpu.memory_space<vmem_shared>>
      %dma_start3A_162 = arith.constant 0 : i32
      %dma_start3A_163 = arith.constant 0 : i32
      %dma_start3A_164 = tpu.memref_slice %arg12[%dma_start3A_162, %dma_start3A_163] : memref<80x128xf32, #tpu.memory_space<vmem>> -> memref<40x128xf32, #tpu.memory_space<vmem>>
      tpu.enqueue_dma source(%dma_start3A_164 : memref<40x128xf32, #tpu.memory_space<vmem>>) target(%dma_start3A_161 : memref<40x128xf32, #tpu.memory_space<vmem_shared>>) target_semaphore(%arg20 : memref<!tpu.dma_semaphore, #tpu.memory_space<semaphore_mem>>)
      %mul3A_165 = arith.constant 1000 : i32
      %mul3A_166 = arith.muli %arg1, %mul3A_165 : i32
      %add3A_167 = arith.constant 200 : i32
      %add3A_168 = arith.addi %mul3A_166, %add3A_167 : i32
      %dma_start3A_169 = arith.constant 0 : i32
      %dma_start3A_170 = arith.constant 0 : i32
      %dma_start3A_171 = tpu.memref_slice %arg12[%dma_start3A_169, %dma_start3A_170] : memref<80x128xf32, #tpu.memory_space<vmem>> -> memref<40x128xf32, #tpu.memory_space<vmem>>
      %dma_start3A_172 = arith.constant 0 : i32
      %dma_start3A_173 = tpu.memref_slice %arg13[%add3A_168, %dma_start3A_172] : memref<10000x128xf32, #tpu.memory_space<vmem_shared>> -> memref<40x128xf32, #tpu.memory_space<vmem_shared>>
      %dma_start3A_174 = arith.constant 0 : i32
      %dma_start3A_175 = tpu.memref_slice %arg13[%add3A_168, %dma_start3A_174] : memref<10000x128xf32, #tpu.memory_space<vmem_shared>> -> memref<40x128xf32, #tpu.memory_space<vmem_shared>>
      %dma_start3A_176 = arith.constant 0 : i32
      %dma_start3A_177 = arith.constant 0 : i32
      %dma_start3A_178 = tpu.memref_slice %arg12[%dma_start3A_176, %dma_start3A_177] : memref<80x128xf32, #tpu.memory_space<vmem>> -> memref<40x128xf32, #tpu.memory_space<vmem>>
      tpu.enqueue_dma source(%dma_start3A_178 : memref<40x128xf32, #tpu.memory_space<vmem>>) target(%dma_start3A_175 : memref<40x128xf32, #tpu.memory_space<vmem_shared>>) target_semaphore(%arg20 : memref<!tpu.dma_semaphore, #tpu.memory_space<semaphore_mem>>)
      %mul3A_179 = arith.constant 1000 : i32
      %mul3A_180 = arith.muli %arg1, %mul3A_179 : i32
      %add3A_181 = arith.constant 240 : i32
      %add3A_182 = arith.addi %mul3A_180, %add3A_181 : i32
      %dma_start3A_183 = arith.constant 0 : i32
      %dma_start3A_184 = arith.constant 0 : i32
      %dma_start3A_185 = tpu.memref_slice %arg12[%dma_start3A_183, %dma_start3A_184] : memref<80x128xf32, #tpu.memory_space<vmem>> -> memref<40x128xf32, #tpu.memory_space<vmem>>
      %dma_start3A_186 = arith.constant 0 : i32
      %dma_start3A_187 = tpu.memref_slice %arg13[%add3A_182, %dma_start3A_186] : memref<10000x128xf32, #tpu.memory_space<vmem_shared>> -> memref<40x128xf32, #tpu.memory_space<vmem_shared>>
      %dma_start3A_188 = arith.constant 0 : i32
      %dma_start3A_189 = tpu.memref_slice %arg13[%add3A_182, %dma_start3A_188] : memref<10000x128xf32, #tpu.memory_space<vmem_shared>> -> memref<40x128xf32, #tpu.memory_space<vmem_shared>>
      %dma_start3A_190 = arith.constant 0 : i32
      %dma_start3A_191 = arith.constant 0 : i32
      %dma_start3A_192 = tpu.memref_slice %arg12[%dma_start3A_190, %dma_start3A_191] : memref<80x128xf32, #tpu.memory_space<vmem>> -> memref<40x128xf32, #tpu.memory_space<vmem>>
      tpu.enqueue_dma source(%dma_start3A_192 : memref<40x128xf32, #tpu.memory_space<vmem>>) target(%dma_start3A_189 : memref<40x128xf32, #tpu.memory_space<vmem_shared>>) target_semaphore(%arg20 : memref<!tpu.dma_semaphore, #tpu.memory_space<semaphore_mem>>)
      %mul3A_193 = arith.constant 1000 : i32
      %mul3A_194 = arith.muli %arg1, %mul3A_193 : i32
      %add3A_195 = arith.constant 280 : i32
      %add3A_196 = arith.addi %mul3A_194, %add3A_195 : i32
      %dma_start3A_197 = arith.constant 0 : i32
      %dma_start3A_198 = arith.constant 0 : i32
      %dma_start3A_199 = tpu.memref_slice %arg12[%dma_start3A_197, %dma_start3A_198] : memref<80x128xf32, #tpu.memory_space<vmem>> -> memref<40x128xf32, #tpu.memory_space<vmem>>
      %dma_start3A_200 = arith.constant 0 : i32
      %dma_start3A_201 = tpu.memref_slice %arg13[%add3A_196, %dma_start3A_200] : memref<10000x128xf32, #tpu.memory_space<vmem_shared>> -> memref<40x128xf32, #tpu.memory_space<vmem_shared>>
      %dma_start3A_202 = arith.constant 0 : i32
      %dma_start3A_203 = tpu.memref_slice %arg13[%add3A_196, %dma_start3A_202] : memref<10000x128xf32, #tpu.memory_space<vmem_shared>> -> memref<40x128xf32, #tpu.memory_space<vmem_shared>>
      %dma_start3A_204 = arith.constant 0 : i32
      %dma_start3A_205 = arith.constant 0 : i32
      %dma_start3A_206 = tpu.memref_slice %arg12[%dma_start3A_204, %dma_start3A_205] : memref<80x128xf32, #tpu.memory_space<vmem>> -> memref<40x128xf32, #tpu.memory_space<vmem>>
      tpu.enqueue_dma source(%dma_start3A_206 : memref<40x128xf32, #tpu.memory_space<vmem>>) target(%dma_start3A_203 : memref<40x128xf32, #tpu.memory_space<vmem_shared>>) target_semaphore(%arg20 : memref<!tpu.dma_semaphore, #tpu.memory_space<semaphore_mem>>)
      %mul3A_207 = arith.constant 1000 : i32
      %mul3A_208 = arith.muli %arg1, %mul3A_207 : i32
      %add3A_209 = arith.constant 320 : i32
      %add3A_210 = arith.addi %mul3A_208, %add3A_209 : i32
      %dma_start3A_211 = arith.constant 0 : i32
      %dma_start3A_212 = arith.constant 0 : i32
      %dma_start3A_213 = tpu.memref_slice %arg12[%dma_start3A_211, %dma_start3A_212] : memref<80x128xf32, #tpu.memory_space<vmem>> -> memref<40x128xf32, #tpu.memory_space<vmem>>
      %dma_start3A_214 = arith.constant 0 : i32
      %dma_start3A_215 = tpu.memref_slice %arg13[%add3A_210, %dma_start3A_214] : memref<10000x128xf32, #tpu.memory_space<vmem_shared>> -> memref<40x128xf32, #tpu.memory_space<vmem_shared>>
      %dma_start3A_216 = arith.constant 0 : i32
      %dma_start3A_217 = tpu.memref_slice %arg13[%add3A_210, %dma_start3A_216] : memref<10000x128xf32, #tpu.memory_space<vmem_shared>> -> memref<40x128xf32, #tpu.memory_space<vmem_shared>>
      %dma_start3A_218 = arith.constant 0 : i32
      %dma_start3A_219 = arith.constant 0 : i32
      %dma_start3A_220 = tpu.memref_slice %arg12[%dma_start3A_218, %dma_start3A_219] : memref<80x128xf32, #tpu.memory_space<vmem>> -> memref<40x128xf32, #tpu.memory_space<vmem>>
      tpu.enqueue_dma source(%dma_start3A_220 : memref<40x128xf32, #tpu.memory_space<vmem>>) target(%dma_start3A_217 : memref<40x128xf32, #tpu.memory_space<vmem_shared>>) target_semaphore(%arg20 : memref<!tpu.dma_semaphore, #tpu.memory_space<semaphore_mem>>)
      %mul3A_221 = arith.constant 1000 : i32
      %mul3A_222 = arith.muli %arg1, %mul3A_221 : i32
      %add3A_223 = arith.constant 360 : i32
      %add3A_224 = arith.addi %mul3A_222, %add3A_223 : i32
      %dma_start3A_225 = arith.constant 0 : i32
      %dma_start3A_226 = arith.constant 0 : i32
      %dma_start3A_227 = tpu.memref_slice %arg12[%dma_start3A_225, %dma_start3A_226] : memref<80x128xf32, #tpu.memory_space<vmem>> -> memref<40x128xf32, #tpu.memory_space<vmem>>
      %dma_start3A_228 = arith.constant 0 : i32
      %dma_start3A_229 = tpu.memref_slice %arg13[%add3A_224, %dma_start3A_228] : memref<10000x128xf32, #tpu.memory_space<vmem_shared>> -> memref<40x128xf32, #tpu.memory_space<vmem_shared>>
      %dma_start3A_230 = arith.constant 0 : i32
      %dma_start3A_231 = tpu.memref_slice %arg13[%add3A_224, %dma_start3A_230] : memref<10000x128xf32, #tpu.memory_space<vmem_shared>> -> memref<40x128xf32, #tpu.memory_space<vmem_shared>>
      %dma_start3A_232 = arith.constant 0 : i32
      %dma_start3A_233 = arith.constant 0 : i32
      %dma_start3A_234 = tpu.memref_slice %arg12[%dma_start3A_232, %dma_start3A_233] : memref<80x128xf32, #tpu.memory_space<vmem>> -> memref<40x128xf32, #tpu.memory_space<vmem>>
      tpu.enqueue_dma source(%dma_start3A_234 : memref<40x128xf32, #tpu.memory_space<vmem>>) target(%dma_start3A_231 : memref<40x128xf32, #tpu.memory_space<vmem_shared>>) target_semaphore(%arg20 : memref<!tpu.dma_semaphore, #tpu.memory_space<semaphore_mem>>)
      %mul3A_235 = arith.constant 1000 : i32
      %mul3A_236 = arith.muli %arg1, %mul3A_235 : i32
      %add3A_237 = arith.constant 400 : i32
      %add3A_238 = arith.addi %mul3A_236, %add3A_237 : i32
      %dma_start3A_239 = arith.constant 0 : i32
      %dma_start3A_240 = arith.constant 0 : i32
      %dma_start3A_241 = tpu.memref_slice %arg12[%dma_start3A_239, %dma_start3A_240] : memref<80x128xf32, #tpu.memory_space<vmem>> -> memref<40x128xf32, #tpu.memory_space<vmem>>
      %dma_start3A_242 = arith.constant 0 : i32
      %dma_start3A_243 = tpu.memref_slice %arg13[%add3A_238, %dma_start3A_242] : memref<10000x128xf32, #tpu.memory_space<vmem_shared>> -> memref<40x128xf32, #tpu.memory_space<vmem_shared>>
      %dma_start3A_244 = arith.constant 0 : i32
      %dma_start3A_245 = tpu.memref_slice %arg13[%add3A_238, %dma_start3A_244] : memref<10000x128xf32, #tpu.memory_space<vmem_shared>> -> memref<40x128xf32, #tpu.memory_space<vmem_shared>>
      %dma_start3A_246 = arith.constant 0 : i32
      %dma_start3A_247 = arith.constant 0 : i32
      %dma_start3A_248 = tpu.memref_slice %arg12[%dma_start3A_246, %dma_start3A_247] : memref<80x128xf32, #tpu.memory_space<vmem>> -> memref<40x128xf32, #tpu.memory_space<vmem>>
      tpu.enqueue_dma source(%dma_start3A_248 : memref<40x128xf32, #tpu.memory_space<vmem>>) target(%dma_start3A_245 : memref<40x128xf32, #tpu.memory_space<vmem_shared>>) target_semaphore(%arg20 : memref<!tpu.dma_semaphore, #tpu.memory_space<semaphore_mem>>)
      %mul3A_249 = arith.constant 1000 : i32
      %mul3A_250 = arith.muli %arg1, %mul3A_249 : i32
      %add3A_251 = arith.constant 440 : i32
      %add3A_252 = arith.addi %mul3A_250, %add3A_251 : i32
      %dma_start3A_253 = arith.constant 0 : i32
      %dma_start3A_254 = arith.constant 0 : i32
      %dma_start3A_255 = tpu.memref_slice %arg12[%dma_start3A_253, %dma_start3A_254] : memref<80x128xf32, #tpu.memory_space<vmem>> -> memref<40x128xf32, #tpu.memory_space<vmem>>
      %dma_start3A_256 = arith.constant 0 : i32
      %dma_start3A_257 = tpu.memref_slice %arg13[%add3A_252, %dma_start3A_256] : memref<10000x128xf32, #tpu.memory_space<vmem_shared>> -> memref<40x128xf32, #tpu.memory_space<vmem_shared>>
      %dma_start3A_258 = arith.constant 0 : i32
      %dma_start3A_259 = tpu.memref_slice %arg13[%add3A_252, %dma_start3A_258] : memref<10000x128xf32, #tpu.memory_space<vmem_shared>> -> memref<40x128xf32, #tpu.memory_space<vmem_shared>>
      %dma_start3A_260 = arith.constant 0 : i32
      %dma_start3A_261 = arith.constant 0 : i32
      %dma_start3A_262 = tpu.memref_slice %arg12[%dma_start3A_260, %dma_start3A_261] : memref<80x128xf32, #tpu.memory_space<vmem>> -> memref<40x128xf32, #tpu.memory_space<vmem>>
      tpu.enqueue_dma source(%dma_start3A_262 : memref<40x128xf32, #tpu.memory_space<vmem>>) target(%dma_start3A_259 : memref<40x128xf32, #tpu.memory_space<vmem_shared>>) target_semaphore(%arg20 : memref<!tpu.dma_semaphore, #tpu.memory_space<semaphore_mem>>)
      %mul3A_263 = arith.constant 1000 : i32
      %mul3A_264 = arith.muli %arg1, %mul3A_263 : i32
      %add3A_265 = arith.constant 480 : i32
      %add3A_266 = arith.addi %mul3A_264, %add3A_265 : i32
      %dma_start3A_267 = arith.constant 0 : i32
      %dma_start3A_268 = arith.constant 0 : i32
      %dma_start3A_269 = tpu.memref_slice %arg12[%dma_start3A_267, %dma_start3A_268] : memref<80x128xf32, #tpu.memory_space<vmem>> -> memref<40x128xf32, #tpu.memory_space<vmem>>
      %dma_start3A_270 = arith.constant 0 : i32
      %dma_start3A_271 = tpu.memref_slice %arg13[%add3A_266, %dma_start3A_270] : memref<10000x128xf32, #tpu.memory_space<vmem_shared>> -> memref<40x128xf32, #tpu.memory_space<vmem_shared>>
      %dma_start3A_272 = arith.constant 0 : i32
      %dma_start3A_273 = tpu.memref_slice %arg13[%add3A_266, %dma_start3A_272] : memref<10000x128xf32, #tpu.memory_space<vmem_shared>> -> memref<40x128xf32, #tpu.memory_space<vmem_shared>>
      %dma_start3A_274 = arith.constant 0 : i32
      %dma_start3A_275 = arith.constant 0 : i32
      %dma_start3A_276 = tpu.memref_slice %arg12[%dma_start3A_274, %dma_start3A_275] : memref<80x128xf32, #tpu.memory_space<vmem>> -> memref<40x128xf32, #tpu.memory_space<vmem>>
      tpu.enqueue_dma source(%dma_start3A_276 : memref<40x128xf32, #tpu.memory_space<vmem>>) target(%dma_start3A_273 : memref<40x128xf32, #tpu.memory_space<vmem_shared>>) target_semaphore(%arg20 : memref<!tpu.dma_semaphore, #tpu.memory_space<semaphore_mem>>)
      %mul3A_277 = arith.constant 1000 : i32
      %mul3A_278 = arith.muli %arg1, %mul3A_277 : i32
      %add3A_279 = arith.constant 520 : i32
      %add3A_280 = arith.addi %mul3A_278, %add3A_279 : i32
      %dma_start3A_281 = arith.constant 0 : i32
      %dma_start3A_282 = arith.constant 0 : i32
      %dma_start3A_283 = tpu.memref_slice %arg12[%dma_start3A_281, %dma_start3A_282] : memref<80x128xf32, #tpu.memory_space<vmem>> -> memref<40x128xf32, #tpu.memory_space<vmem>>
      %dma_start3A_284 = arith.constant 0 : i32
      %dma_start3A_285 = tpu.memref_slice %arg13[%add3A_280, %dma_start3A_284] : memref<10000x128xf32, #tpu.memory_space<vmem_shared>> -> memref<40x128xf32, #tpu.memory_space<vmem_shared>>
      %dma_start3A_286 = arith.constant 0 : i32
      %dma_start3A_287 = tpu.memref_slice %arg13[%add3A_280, %dma_start3A_286] : memref<10000x128xf32, #tpu.memory_space<vmem_shared>> -> memref<40x128xf32, #tpu.memory_space<vmem_shared>>
      %dma_start3A_288 = arith.constant 0 : i32
      %dma_start3A_289 = arith.constant 0 : i32
      %dma_start3A_290 = tpu.memref_slice %arg12[%dma_start3A_288, %dma_start3A_289] : memref<80x128xf32, #tpu.memory_space<vmem>> -> memref<40x128xf32, #tpu.memory_space<vmem>>
      tpu.enqueue_dma source(%dma_start3A_290 : memref<40x128xf32, #tpu.memory_space<vmem>>) target(%dma_start3A_287 : memref<40x128xf32, #tpu.memory_space<vmem_shared>>) target_semaphore(%arg20 : memref<!tpu.dma_semaphore, #tpu.memory_space<semaphore_mem>>)
      %mul3A_291 = arith.constant 1000 : i32
      %mul3A_292 = arith.muli %arg1, %mul3A_291 : i32
      %add3A_293 = arith.constant 560 : i32
      %add3A_294 = arith.addi %mul3A_292, %add3A_293 : i32
      %dma_start3A_295 = arith.constant 0 : i32
      %dma_start3A_296 = arith.constant 0 : i32
      %dma_start3A_297 = tpu.memref_slice %arg12[%dma_start3A_295, %dma_start3A_296] : memref<80x128xf32, #tpu.memory_space<vmem>> -> memref<40x128xf32, #tpu.memory_space<vmem>>
      %dma_start3A_298 = arith.constant 0 : i32
      %dma_start3A_299 = tpu.memref_slice %arg13[%add3A_294, %dma_start3A_298] : memref<10000x128xf32, #tpu.memory_space<vmem_shared>> -> memref<40x128xf32, #tpu.memory_space<vmem_shared>>
      %dma_start3A_300 = arith.constant 0 : i32
      %dma_start3A_301 = tpu.memref_slice %arg13[%add3A_294, %dma_start3A_300] : memref<10000x128xf32, #tpu.memory_space<vmem_shared>> -> memref<40x128xf32, #tpu.memory_space<vmem_shared>>
      %dma_start3A_302 = arith.constant 0 : i32
      %dma_start3A_303 = arith.constant 0 : i32
      %dma_start3A_304 = tpu.memref_slice %arg12[%dma_start3A_302, %dma_start3A_303] : memref<80x128xf32, #tpu.memory_space<vmem>> -> memref<40x128xf32, #tpu.memory_space<vmem>>
      tpu.enqueue_dma source(%dma_start3A_304 : memref<40x128xf32, #tpu.memory_space<vmem>>) target(%dma_start3A_301 : memref<40x128xf32, #tpu.memory_space<vmem_shared>>) target_semaphore(%arg20 : memref<!tpu.dma_semaphore, #tpu.memory_space<semaphore_mem>>)
      %mul3A_305 = arith.constant 1000 : i32
      %mul3A_306 = arith.muli %arg1, %mul3A_305 : i32
      %add3A_307 = arith.constant 600 : i32
      %add3A_308 = arith.addi %mul3A_306, %add3A_307 : i32
      %dma_start3A_309 = arith.constant 0 : i32
      %dma_start3A_310 = arith.constant 0 : i32
      %dma_start3A_311 = tpu.memref_slice %arg12[%dma_start3A_309, %dma_start3A_310] : memref<80x128xf32, #tpu.memory_space<vmem>> -> memref<40x128xf32, #tpu.memory_space<vmem>>
      %dma_start3A_312 = arith.constant 0 : i32
      %dma_start3A_313 = tpu.memref_slice %arg13[%add3A_308, %dma_start3A_312] : memref<10000x128xf32, #tpu.memory_space<vmem_shared>> -> memref<40x128xf32, #tpu.memory_space<vmem_shared>>
      %dma_start3A_314 = arith.constant 0 : i32
      %dma_start3A_315 = tpu.memref_slice %arg13[%add3A_308, %dma_start3A_314] : memref<10000x128xf32, #tpu.memory_space<vmem_shared>> -> memref<40x128xf32, #tpu.memory_space<vmem_shared>>
      %dma_start3A_316 = arith.constant 0 : i32
      %dma_start3A_317 = arith.constant 0 : i32
      %dma_start3A_318 = tpu.memref_slice %arg12[%dma_start3A_316, %dma_start3A_317] : memref<80x128xf32, #tpu.memory_space<vmem>> -> memref<40x128xf32, #tpu.memory_space<vmem>>
      tpu.enqueue_dma source(%dma_start3A_318 : memref<40x128xf32, #tpu.memory_space<vmem>>) target(%dma_start3A_315 : memref<40x128xf32, #tpu.memory_space<vmem_shared>>) target_semaphore(%arg20 : memref<!tpu.dma_semaphore, #tpu.memory_space<semaphore_mem>>)
      %mul3A_319 = arith.constant 1000 : i32
      %mul3A_320 = arith.muli %arg1, %mul3A_319 : i32
      %add3A_321 = arith.constant 640 : i32
      %add3A_322 = arith.addi %mul3A_320, %add3A_321 : i32
      %dma_start3A_323 = arith.constant 0 : i32
      %dma_start3A_324 = arith.constant 0 : i32
      %dma_start3A_325 = tpu.memref_slice %arg12[%dma_start3A_323, %dma_start3A_324] : memref<80x128xf32, #tpu.memory_space<vmem>> -> memref<40x128xf32, #tpu.memory_space<vmem>>
      %dma_start3A_326 = arith.constant 0 : i32
      %dma_start3A_327 = tpu.memref_slice %arg13[%add3A_322, %dma_start3A_326] : memref<10000x128xf32, #tpu.memory_space<vmem_shared>> -> memref<40x128xf32, #tpu.memory_space<vmem_shared>>
      %dma_start3A_328 = arith.constant 0 : i32
      %dma_start3A_329 = tpu.memref_slice %arg13[%add3A_322, %dma_start3A_328] : memref<10000x128xf32, #tpu.memory_space<vmem_shared>> -> memref<40x128xf32, #tpu.memory_space<vmem_shared>>
      %dma_start3A_330 = arith.constant 0 : i32
      %dma_start3A_331 = arith.constant 0 : i32
      %dma_start3A_332 = tpu.memref_slice %arg12[%dma_start3A_330, %dma_start3A_331] : memref<80x128xf32, #tpu.memory_space<vmem>> -> memref<40x128xf32, #tpu.memory_space<vmem>>
      tpu.enqueue_dma source(%dma_start3A_332 : memref<40x128xf32, #tpu.memory_space<vmem>>) target(%dma_start3A_329 : memref<40x128xf32, #tpu.memory_space<vmem_shared>>) target_semaphore(%arg20 : memref<!tpu.dma_semaphore, #tpu.memory_space<semaphore_mem>>)
      %mul3A_333 = arith.constant 1000 : i32
      %mul3A_334 = arith.muli %arg1, %mul3A_333 : i32
      %add3A_335 = arith.constant 680 : i32
      %add3A_336 = arith.addi %mul3A_334, %add3A_335 : i32
      %dma_start3A_337 = arith.constant 0 : i32
      %dma_start3A_338 = arith.constant 0 : i32
      %dma_start3A_339 = tpu.memref_slice %arg12[%dma_start3A_337, %dma_start3A_338] : memref<80x128xf32, #tpu.memory_space<vmem>> -> memref<40x128xf32, #tpu.memory_space<vmem>>
      %dma_start3A_340 = arith.constant 0 : i32
      %dma_start3A_341 = tpu.memref_slice %arg13[%add3A_336, %dma_start3A_340] : memref<10000x128xf32, #tpu.memory_space<vmem_shared>> -> memref<40x128xf32, #tpu.memory_space<vmem_shared>>
      %dma_start3A_342 = arith.constant 0 : i32
      %dma_start3A_343 = tpu.memref_slice %arg13[%add3A_336, %dma_start3A_342] : memref<10000x128xf32, #tpu.memory_space<vmem_shared>> -> memref<40x128xf32, #tpu.memory_space<vmem_shared>>
      %dma_start3A_344 = arith.constant 0 : i32
      %dma_start3A_345 = arith.constant 0 : i32
      %dma_start3A_346 = tpu.memref_slice %arg12[%dma_start3A_344, %dma_start3A_345] : memref<80x128xf32, #tpu.memory_space<vmem>> -> memref<40x128xf32, #tpu.memory_space<vmem>>
      tpu.enqueue_dma source(%dma_start3A_346 : memref<40x128xf32, #tpu.memory_space<vmem>>) target(%dma_start3A_343 : memref<40x128xf32, #tpu.memory_space<vmem_shared>>) target_semaphore(%arg20 : memref<!tpu.dma_semaphore, #tpu.memory_space<semaphore_mem>>)
      %mul3A_347 = arith.constant 1000 : i32
      %mul3A_348 = arith.muli %arg1, %mul3A_347 : i32
      %add3A_349 = arith.constant 720 : i32
      %add3A_350 = arith.addi %mul3A_348, %add3A_349 : i32
      %dma_start3A_351 = arith.constant 0 : i32
      %dma_start3A_352 = arith.constant 0 : i32
      %dma_start3A_353 = tpu.memref_slice %arg12[%dma_start3A_351, %dma_start3A_352] : memref<80x128xf32, #tpu.memory_space<vmem>> -> memref<40x128xf32, #tpu.memory_space<vmem>>
      %dma_start3A_354 = arith.constant 0 : i32
      %dma_start3A_355 = tpu.memref_slice %arg13[%add3A_350, %dma_start3A_354] : memref<10000x128xf32, #tpu.memory_space<vmem_shared>> -> memref<40x128xf32, #tpu.memory_space<vmem_shared>>
      %dma_start3A_356 = arith.constant 0 : i32
      %dma_start3A_357 = tpu.memref_slice %arg13[%add3A_350, %dma_start3A_356] : memref<10000x128xf32, #tpu.memory_space<vmem_shared>> -> memref<40x128xf32, #tpu.memory_space<vmem_shared>>
      %dma_start3A_358 = arith.constant 0 : i32
      %dma_start3A_359 = arith.constant 0 : i32
      %dma_start3A_360 = tpu.memref_slice %arg12[%dma_start3A_358, %dma_start3A_359] : memref<80x128xf32, #tpu.memory_space<vmem>> -> memref<40x128xf32, #tpu.memory_space<vmem>>
      tpu.enqueue_dma source(%dma_start3A_360 : memref<40x128xf32, #tpu.memory_space<vmem>>) target(%dma_start3A_357 : memref<40x128xf32, #tpu.memory_space<vmem_shared>>) target_semaphore(%arg20 : memref<!tpu.dma_semaphore, #tpu.memory_space<semaphore_mem>>)
      %mul3A_361 = arith.constant 1000 : i32
      %mul3A_362 = arith.muli %arg1, %mul3A_361 : i32
      %add3A_363 = arith.constant 760 : i32
      %add3A_364 = arith.addi %mul3A_362, %add3A_363 : i32
      %dma_start3A_365 = arith.constant 0 : i32
      %dma_start3A_366 = arith.constant 0 : i32
      %dma_start3A_367 = tpu.memref_slice %arg12[%dma_start3A_365, %dma_start3A_366] : memref<80x128xf32, #tpu.memory_space<vmem>> -> memref<40x128xf32, #tpu.memory_space<vmem>>
      %dma_start3A_368 = arith.constant 0 : i32
      %dma_start3A_369 = tpu.memref_slice %arg13[%add3A_364, %dma_start3A_368] : memref<10000x128xf32, #tpu.memory_space<vmem_shared>> -> memref<40x128xf32, #tpu.memory_space<vmem_shared>>
      %dma_start3A_370 = arith.constant 0 : i32
      %dma_start3A_371 = tpu.memref_slice %arg13[%add3A_364, %dma_start3A_370] : memref<10000x128xf32, #tpu.memory_space<vmem_shared>> -> memref<40x128xf32, #tpu.memory_space<vmem_shared>>
      %dma_start3A_372 = arith.constant 0 : i32
      %dma_start3A_373 = arith.constant 0 : i32
      %dma_start3A_374 = tpu.memref_slice %arg12[%dma_start3A_372, %dma_start3A_373] : memref<80x128xf32, #tpu.memory_space<vmem>> -> memref<40x128xf32, #tpu.memory_space<vmem>>
      tpu.enqueue_dma source(%dma_start3A_374 : memref<40x128xf32, #tpu.memory_space<vmem>>) target(%dma_start3A_371 : memref<40x128xf32, #tpu.memory_space<vmem_shared>>) target_semaphore(%arg20 : memref<!tpu.dma_semaphore, #tpu.memory_space<semaphore_mem>>)
      %mul3A_375 = arith.constant 1000 : i32
      %mul3A_376 = arith.muli %arg1, %mul3A_375 : i32
      %add3A_377 = arith.constant 800 : i32
      %add3A_378 = arith.addi %mul3A_376, %add3A_377 : i32
      %dma_start3A_379 = arith.constant 0 : i32
      %dma_start3A_380 = arith.constant 0 : i32
      %dma_start3A_381 = tpu.memref_slice %arg12[%dma_start3A_379, %dma_start3A_380] : memref<80x128xf32, #tpu.memory_space<vmem>> -> memref<40x128xf32, #tpu.memory_space<vmem>>
      %dma_start3A_382 = arith.constant 0 : i32
      %dma_start3A_383 = tpu.memref_slice %arg13[%add3A_378, %dma_start3A_382] : memref<10000x128xf32, #tpu.memory_space<vmem_shared>> -> memref<40x128xf32, #tpu.memory_space<vmem_shared>>
      %dma_start3A_384 = arith.constant 0 : i32
      %dma_start3A_385 = tpu.memref_slice %arg13[%add3A_378, %dma_start3A_384] : memref<10000x128xf32, #tpu.memory_space<vmem_shared>> -> memref<40x128xf32, #tpu.memory_space<vmem_shared>>
      %dma_start3A_386 = arith.constant 0 : i32
      %dma_start3A_387 = arith.constant 0 : i32
      %dma_start3A_388 = tpu.memref_slice %arg12[%dma_start3A_386, %dma_start3A_387] : memref<80x128xf32, #tpu.memory_space<vmem>> -> memref<40x128xf32, #tpu.memory_space<vmem>>
      tpu.enqueue_dma source(%dma_start3A_388 : memref<40x128xf32, #tpu.memory_space<vmem>>) target(%dma_start3A_385 : memref<40x128xf32, #tpu.memory_space<vmem_shared>>) target_semaphore(%arg20 : memref<!tpu.dma_semaphore, #tpu.memory_space<semaphore_mem>>)
      %mul3A_389 = arith.constant 1000 : i32
      %mul3A_390 = arith.muli %arg1, %mul3A_389 : i32
      %add3A_391 = arith.constant 840 : i32
      %add3A_392 = arith.addi %mul3A_390, %add3A_391 : i32
      %dma_start3A_393 = arith.constant 0 : i32
      %dma_start3A_394 = arith.constant 0 : i32
      %dma_start3A_395 = tpu.memref_slice %arg12[%dma_start3A_393, %dma_start3A_394] : memref<80x128xf32, #tpu.memory_space<vmem>> -> memref<40x128xf32, #tpu.memory_space<vmem>>
      %dma_start3A_396 = arith.constant 0 : i32
      %dma_start3A_397 = tpu.memref_slice %arg13[%add3A_392, %dma_start3A_396] : memref<10000x128xf32, #tpu.memory_space<vmem_shared>> -> memref<40x128xf32, #tpu.memory_space<vmem_shared>>
      %dma_start3A_398 = arith.constant 0 : i32
      %dma_start3A_399 = tpu.memref_slice %arg13[%add3A_392, %dma_start3A_398] : memref<10000x128xf32, #tpu.memory_space<vmem_shared>> -> memref<40x128xf32, #tpu.memory_space<vmem_shared>>
      %dma_start3A_400 = arith.constant 0 : i32
      %dma_start3A_401 = arith.constant 0 : i32
      %dma_start3A_402 = tpu.memref_slice %arg12[%dma_start3A_400, %dma_start3A_401] : memref<80x128xf32, #tpu.memory_space<vmem>> -> memref<40x128xf32, #tpu.memory_space<vmem>>
      tpu.enqueue_dma source(%dma_start3A_402 : memref<40x128xf32, #tpu.memory_space<vmem>>) target(%dma_start3A_399 : memref<40x128xf32, #tpu.memory_space<vmem_shared>>) target_semaphore(%arg20 : memref<!tpu.dma_semaphore, #tpu.memory_space<semaphore_mem>>)
      %mul3A_403 = arith.constant 1000 : i32
      %mul3A_404 = arith.muli %arg1, %mul3A_403 : i32
      %add3A_405 = arith.constant 880 : i32
      %add3A_406 = arith.addi %mul3A_404, %add3A_405 : i32
      %dma_start3A_407 = arith.constant 0 : i32
      %dma_start3A_408 = arith.constant 0 : i32
      %dma_start3A_409 = tpu.memref_slice %arg12[%dma_start3A_407, %dma_start3A_408] : memref<80x128xf32, #tpu.memory_space<vmem>> -> memref<40x128xf32, #tpu.memory_space<vmem>>
      %dma_start3A_410 = arith.constant 0 : i32
      %dma_start3A_411 = tpu.memref_slice %arg13[%add3A_406, %dma_start3A_410] : memref<10000x128xf32, #tpu.memory_space<vmem_shared>> -> memref<40x128xf32, #tpu.memory_space<vmem_shared>>
      %dma_start3A_412 = arith.constant 0 : i32
      %dma_start3A_413 = tpu.memref_slice %arg13[%add3A_406, %dma_start3A_412] : memref<10000x128xf32, #tpu.memory_space<vmem_shared>> -> memref<40x128xf32, #tpu.memory_space<vmem_shared>>
      %dma_start3A_414 = arith.constant 0 : i32
      %dma_start3A_415 = arith.constant 0 : i32
      %dma_start3A_416 = tpu.memref_slice %arg12[%dma_start3A_414, %dma_start3A_415] : memref<80x128xf32, #tpu.memory_space<vmem>> -> memref<40x128xf32, #tpu.memory_space<vmem>>
      tpu.enqueue_dma source(%dma_start3A_416 : memref<40x128xf32, #tpu.memory_space<vmem>>) target(%dma_start3A_413 : memref<40x128xf32, #tpu.memory_space<vmem_shared>>) target_semaphore(%arg20 : memref<!tpu.dma_semaphore, #tpu.memory_space<semaphore_mem>>)
      %mul3A_417 = arith.constant 1000 : i32
      %mul3A_418 = arith.muli %arg1, %mul3A_417 : i32
      %add3A_419 = arith.constant 920 : i32
      %add3A_420 = arith.addi %mul3A_418, %add3A_419 : i32
      %dma_start3A_421 = arith.constant 0 : i32
      %dma_start3A_422 = arith.constant 0 : i32
      %dma_start3A_423 = tpu.memref_slice %arg12[%dma_start3A_421, %dma_start3A_422] : memref<80x128xf32, #tpu.memory_space<vmem>> -> memref<40x128xf32, #tpu.memory_space<vmem>>
      %dma_start3A_424 = arith.constant 0 : i32
      %dma_start3A_425 = tpu.memref_slice %arg13[%add3A_420, %dma_start3A_424] : memref<10000x128xf32, #tpu.memory_space<vmem_shared>> -> memref<40x128xf32, #tpu.memory_space<vmem_shared>>
      %dma_start3A_426 = arith.constant 0 : i32
      %dma_start3A_427 = tpu.memref_slice %arg13[%add3A_420, %dma_start3A_426] : memref<10000x128xf32, #tpu.memory_space<vmem_shared>> -> memref<40x128xf32, #tpu.memory_space<vmem_shared>>
      %dma_start3A_428 = arith.constant 0 : i32
      %dma_start3A_429 = arith.constant 0 : i32
      %dma_start3A_430 = tpu.memref_slice %arg12[%dma_start3A_428, %dma_start3A_429] : memref<80x128xf32, #tpu.memory_space<vmem>> -> memref<40x128xf32, #tpu.memory_space<vmem>>
      tpu.enqueue_dma source(%dma_start3A_430 : memref<40x128xf32, #tpu.memory_space<vmem>>) target(%dma_start3A_427 : memref<40x128xf32, #tpu.memory_space<vmem_shared>>) target_semaphore(%arg20 : memref<!tpu.dma_semaphore, #tpu.memory_space<semaphore_mem>>)
      %mul3A_431 = arith.constant 1000 : i32
      %mul3A_432 = arith.muli %arg1, %mul3A_431 : i32
      %add3A_433 = arith.constant 960 : i32
      %add3A_434 = arith.addi %mul3A_432, %add3A_433 : i32
      %dma_start3A_435 = arith.constant 0 : i32
      %dma_start3A_436 = arith.constant 0 : i32
      %dma_start3A_437 = tpu.memref_slice %arg12[%dma_start3A_435, %dma_start3A_436] : memref<80x128xf32, #tpu.memory_space<vmem>> -> memref<40x128xf32, #tpu.memory_space<vmem>>
      %dma_start3A_438 = arith.constant 0 : i32
      %dma_start3A_439 = tpu.memref_slice %arg13[%add3A_434, %dma_start3A_438] : memref<10000x128xf32, #tpu.memory_space<vmem_shared>> -> memref<40x128xf32, #tpu.memory_space<vmem_shared>>
      %dma_start3A_440 = arith.constant 0 : i32
      %dma_start3A_441 = tpu.memref_slice %arg13[%add3A_434, %dma_start3A_440] : memref<10000x128xf32, #tpu.memory_space<vmem_shared>> -> memref<40x128xf32, #tpu.memory_space<vmem_shared>>
      %dma_start3A_442 = arith.constant 0 : i32
      %dma_start3A_443 = arith.constant 0 : i32
      %dma_start3A_444 = tpu.memref_slice %arg12[%dma_start3A_442, %dma_start3A_443] : memref<80x128xf32, #tpu.memory_space<vmem>> -> memref<40x128xf32, #tpu.memory_space<vmem>>
      tpu.enqueue_dma source(%dma_start3A_444 : memref<40x128xf32, #tpu.memory_space<vmem>>) target(%dma_start3A_441 : memref<40x128xf32, #tpu.memory_space<vmem_shared>>) target_semaphore(%arg20 : memref<!tpu.dma_semaphore, #tpu.memory_space<semaphore_mem>>)
    } else {
    }
    "tpu.region"() ({
      %run_scoped3A_89 = tpu.sem_alloc : memref<!tpu.dma_semaphore, #tpu.memory_space<semaphore_mem>>
      %dma_start3A_90 = arith.constant 0 : i32
      %dma_start3A_91 = arith.constant 0 : i32
      %dma_start3A_92 = tpu.memref_slice %arg3[%add3A, %dma_start3A_90, %dma_start3A_91] : memref<32x125x80xi32, #tpu.memory_space<hbm>> -> memref<1x125x80xi32, #tpu.memory_space<hbm>>
      %dma_start3A_93 = tpu.memref_squeeze %dma_start3A_92 : memref<1x125x80xi32, #tpu.memory_space<hbm>> -> memref<125x80xi32, #tpu.memory_space<hbm>>
      %dma_start3A_94 = arith.constant 0 : i32
      %dma_start3A_95 = arith.constant 0 : i32
      %dma_start3A_96 = tpu.memref_slice %arg3[%add3A, %dma_start3A_94, %dma_start3A_95] : memref<32x125x80xi32, #tpu.memory_space<hbm>> -> memref<1x125x80xi32, #tpu.memory_space<hbm>>
      %dma_start3A_97 = tpu.memref_squeeze %dma_start3A_96 : memref<1x125x80xi32, #tpu.memory_space<hbm>> -> memref<125x80xi32, #tpu.memory_space<hbm>>
      tpu.enqueue_dma source(%dma_start3A_97 : memref<125x80xi32, #tpu.memory_space<hbm>>) target(%arg9 : memref<125x80xi32, #tpu.memory_space<vmem>>) target_semaphore(%run_scoped3A_89 : memref<!tpu.dma_semaphore, #tpu.memory_space<semaphore_mem>>)
      %dma_wait3A_98 = arith.constant 0 : i32
      %dma_wait3A_99 = arith.constant 0 : i32
      %dma_wait3A_100 = tpu.memref_slice %arg3[%add3A, %dma_wait3A_98, %dma_wait3A_99] : memref<32x125x80xi32, #tpu.memory_space<hbm>> -> memref<1x125x80xi32, #tpu.memory_space<hbm>>
      %dma_wait3A_101 = tpu.memref_squeeze %dma_wait3A_100 : memref<1x125x80xi32, #tpu.memory_space<hbm>> -> memref<125x80xi32, #tpu.memory_space<hbm>>
      %dma_wait3A_102 = arith.constant 0 : i32
      %dma_wait3A_103 = arith.constant 0 : i32
      %dma_wait3A_104 = tpu.memref_slice %arg3[%add3A, %dma_wait3A_102, %dma_wait3A_103] : memref<32x125x80xi32, #tpu.memory_space<hbm>> -> memref<1x125x80xi32, #tpu.memory_space<hbm>>
      %dma_wait3A_105 = tpu.memref_squeeze %dma_wait3A_104 : memref<1x125x80xi32, #tpu.memory_space<hbm>> -> memref<125x80xi32, #tpu.memory_space<hbm>>
      tpu.wait_dma2 semaphore(%run_scoped3A_89 : memref<!tpu.dma_semaphore, #tpu.memory_space<semaphore_mem>>) src(%dma_wait3A_105 : memref<125x80xi32, #tpu.memory_space<hbm>>) dst(%arg9 : memref<125x80xi32, #tpu.memory_space<vmem>>)
      tpu.yield
    }) : () -> ()
    %run_scoped3A = arith.constant 0 : i32
    "tpu.region"() ({
      %run_scoped3A_89 = tpu.sem_alloc : memref<!tpu.dma_semaphore, #tpu.memory_space<semaphore_mem>>
      %dma_start3A_90 = arith.constant 0 : i32
      %dma_start3A_91 = tpu.memref_slice %arg2[%add3A, %run_scoped3A, %dma_start3A_90] : memref<32x125x80xi32, #tpu.memory_space<hbm>> -> memref<1x1x80xi32, #tpu.memory_space<hbm>>
      %dma_start3A_92 = tpu.memref_squeeze %dma_start3A_91 : memref<1x1x80xi32, #tpu.memory_space<hbm>> -> memref<80xi32, #tpu.memory_space<hbm>>
      %dma_start3A_93 = arith.constant 0 : i32
      %dma_start3A_94 = tpu.memref_slice %arg2[%add3A, %run_scoped3A, %dma_start3A_93] : memref<32x125x80xi32, #tpu.memory_space<hbm>> -> memref<1x1x80xi32, #tpu.memory_space<hbm>>
      %dma_start3A_95 = tpu.memref_squeeze %dma_start3A_94 : memref<1x1x80xi32, #tpu.memory_space<hbm>> -> memref<80xi32, #tpu.memory_space<hbm>>
      tpu.enqueue_dma source(%dma_start3A_95 : memref<80xi32, #tpu.memory_space<hbm>>) target(%arg6 : memref<80xi32, #tpu.memory_space<vmem>>) target_semaphore(%run_scoped3A_89 : memref<!tpu.dma_semaphore, #tpu.memory_space<semaphore_mem>>)
      %dma_wait3A_96 = arith.constant 0 : i32
      %dma_wait3A_97 = tpu.memref_slice %arg2[%add3A, %run_scoped3A, %dma_wait3A_96] : memref<32x125x80xi32, #tpu.memory_space<hbm>> -> memref<1x1x80xi32, #tpu.memory_space<hbm>>
      %dma_wait3A_98 = tpu.memref_squeeze %dma_wait3A_97 : memref<1x1x80xi32, #tpu.memory_space<hbm>> -> memref<80xi32, #tpu.memory_space<hbm>>
      %dma_wait3A_99 = arith.constant 0 : i32
      %dma_wait3A_100 = tpu.memref_slice %arg2[%add3A, %run_scoped3A, %dma_wait3A_99] : memref<32x125x80xi32, #tpu.memory_space<hbm>> -> memref<1x1x80xi32, #tpu.memory_space<hbm>>
      %dma_wait3A_101 = tpu.memref_squeeze %dma_wait3A_100 : memref<1x1x80xi32, #tpu.memory_space<hbm>> -> memref<80xi32, #tpu.memory_space<hbm>>
      tpu.wait_dma2 semaphore(%run_scoped3A_89 : memref<!tpu.dma_semaphore, #tpu.memory_space<semaphore_mem>>) src(%dma_wait3A_101 : memref<80xi32, #tpu.memory_space<hbm>>) dst(%arg6 : memref<80xi32, #tpu.memory_space<vmem>>)
      tpu.yield
    }) : () -> ()
    %dma_start3A = arith.constant 0 : i32
    %dma_start3A_3 = arith.constant 0 : i32
    %dma_start3A_4 = tpu.memref_slice %arg4[%dma_start3A, %dma_start3A_3] : memref<10000x128xf32, #tpu.memory_space<hbm>> -> memref<10000x128xf32, #tpu.memory_space<hbm>>
    tpu.enqueue_indirect_dma source(%dma_start3A_4 : memref<10000x128xf32, #tpu.memory_space<hbm>>) target(%arg10 : memref<80x128xf32, #tpu.memory_space<vmem>>) offsets(%arg6 : memref<80xi32, #tpu.memory_space<vmem>>) semaphore(%arg14 : memref<!tpu.dma_semaphore, #tpu.memory_space<semaphore_mem>>)
    %dma_start3A_5 = arith.constant 1 : i32
    %dma_start3A_6 = arith.constant 0 : i32
    %dma_start3A_7 = tpu.memref_slice %arg2[%add3A, %dma_start3A_5, %dma_start3A_6] : memref<32x125x80xi32, #tpu.memory_space<hbm>> -> memref<1x1x80xi32, #tpu.memory_space<hbm>>
    %dma_start3A_8 = tpu.memref_squeeze %dma_start3A_7 : memref<1x1x80xi32, #tpu.memory_space<hbm>> -> memref<80xi32, #tpu.memory_space<hbm>>
    %dma_start3A_9 = arith.constant 0 : i32
    %dma_start3A_10 = tpu.memref_slice %arg2[%add3A, %dma_start3A_5, %dma_start3A_9] : memref<32x125x80xi32, #tpu.memory_space<hbm>> -> memref<1x1x80xi32, #tpu.memory_space<hbm>>
    %dma_start3A_11 = tpu.memref_squeeze %dma_start3A_10 : memref<1x1x80xi32, #tpu.memory_space<hbm>> -> memref<80xi32, #tpu.memory_space<hbm>>
    tpu.enqueue_dma source(%dma_start3A_11 : memref<80xi32, #tpu.memory_space<hbm>>) target(%arg7 : memref<80xi32, #tpu.memory_space<vmem>>) target_semaphore(%arg18 : memref<!tpu.dma_semaphore, #tpu.memory_space<semaphore_mem>>)
    %dma_start3A_12 = arith.constant 2 : i32
    %dma_start3A_13 = arith.constant 0 : i32
    %dma_start3A_14 = tpu.memref_slice %arg2[%add3A, %dma_start3A_12, %dma_start3A_13] : memref<32x125x80xi32, #tpu.memory_space<hbm>> -> memref<1x1x80xi32, #tpu.memory_space<hbm>>
    %dma_start3A_15 = tpu.memref_squeeze %dma_start3A_14 : memref<1x1x80xi32, #tpu.memory_space<hbm>> -> memref<80xi32, #tpu.memory_space<hbm>>
    %dma_start3A_16 = arith.constant 0 : i32
    %dma_start3A_17 = tpu.memref_slice %arg2[%add3A, %dma_start3A_12, %dma_start3A_16] : memref<32x125x80xi32, #tpu.memory_space<hbm>> -> memref<1x1x80xi32, #tpu.memory_space<hbm>>
    %dma_start3A_18 = tpu.memref_squeeze %dma_start3A_17 : memref<1x1x80xi32, #tpu.memory_space<hbm>> -> memref<80xi32, #tpu.memory_space<hbm>>
    tpu.enqueue_dma source(%dma_start3A_18 : memref<80xi32, #tpu.memory_space<hbm>>) target(%arg8 : memref<80xi32, #tpu.memory_space<vmem>>) target_semaphore(%arg19 : memref<!tpu.dma_semaphore, #tpu.memory_space<semaphore_mem>>)
    %dma_wait3A = arith.constant 0 : i32
    %dma_wait3A_19 = arith.constant 0 : i32
    %dma_wait3A_20 = tpu.memref_slice %arg2[%add3A, %dma_wait3A, %dma_wait3A_19] : memref<32x125x80xi32, #tpu.memory_space<hbm>> -> memref<1x1x80xi32, #tpu.memory_space<hbm>>
    %dma_wait3A_21 = tpu.memref_squeeze %dma_wait3A_20 : memref<1x1x80xi32, #tpu.memory_space<hbm>> -> memref<80xi32, #tpu.memory_space<hbm>>
    %dma_wait3A_22 = arith.constant 0 : i32
    %dma_wait3A_23 = tpu.memref_slice %arg2[%add3A, %dma_wait3A, %dma_wait3A_22] : memref<32x125x80xi32, #tpu.memory_space<hbm>> -> memref<1x1x80xi32, #tpu.memory_space<hbm>>
    %dma_wait3A_24 = tpu.memref_squeeze %dma_wait3A_23 : memref<1x1x80xi32, #tpu.memory_space<hbm>> -> memref<80xi32, #tpu.memory_space<hbm>>
    tpu.wait_dma2 semaphore(%arg18 : memref<!tpu.dma_semaphore, #tpu.memory_space<semaphore_mem>>) src(%dma_wait3A_24 : memref<80xi32, #tpu.memory_space<hbm>>) dst(%arg7 : memref<80xi32, #tpu.memory_space<vmem>>)
    %dma_start3A_25 = arith.constant 0 : i32
    %dma_start3A_26 = arith.constant 0 : i32
    %dma_start3A_27 = tpu.memref_slice %arg4[%dma_start3A_25, %dma_start3A_26] : memref<10000x128xf32, #tpu.memory_space<hbm>> -> memref<10000x128xf32, #tpu.memory_space<hbm>>
    tpu.enqueue_indirect_dma source(%dma_start3A_27 : memref<10000x128xf32, #tpu.memory_space<hbm>>) target(%arg11 : memref<80x128xf32, #tpu.memory_space<vmem>>) offsets(%arg7 : memref<80xi32, #tpu.memory_space<vmem>>) semaphore(%arg15 : memref<!tpu.dma_semaphore, #tpu.memory_space<semaphore_mem>>)
    %lt3A_28 = arith.constant 10 : i32
    %lt3A_29 = arith.cmpi slt, %arg1, %lt3A_28 : i32
    %convert_element_type3A_30 = arith.extui %lt3A_29 : i1 to i32
    %cond3A_31 = arith.constant 0 : i32
    %cond3A_32 = arith.cmpi ne, %convert_element_type3A_30, %cond3A_31 : i32
    scf.if %cond3A_32 {
      %dma_wait3A_89 = arith.constant 0 : i32
      %dma_wait3A_90 = arith.constant 0 : i32
      %dma_wait3A_91 = tpu.memref_slice %arg12[%dma_wait3A_89, %dma_wait3A_90] : memref<80x128xf32, #tpu.memory_space<vmem>> -> memref<40x128xf32, #tpu.memory_space<vmem>>
      %dma_wait3A_92 = arith.constant 0 : i32
      %dma_wait3A_93 = arith.constant 0 : i32
      %dma_wait3A_94 = tpu.memref_slice %arg13[%dma_wait3A_92, %dma_wait3A_93] : memref<10000x128xf32, #tpu.memory_space<vmem_shared>> -> memref<40x128xf32, #tpu.memory_space<vmem_shared>>
      %dma_wait3A_95 = arith.constant 0 : i32
      %dma_wait3A_96 = arith.constant 0 : i32
      %dma_wait3A_97 = tpu.memref_slice %arg13[%dma_wait3A_95, %dma_wait3A_96] : memref<10000x128xf32, #tpu.memory_space<vmem_shared>> -> memref<40x128xf32, #tpu.memory_space<vmem_shared>>
      %dma_wait3A_98 = arith.constant 0 : i32
      %dma_wait3A_99 = arith.constant 0 : i32
      %dma_wait3A_100 = tpu.memref_slice %arg12[%dma_wait3A_98, %dma_wait3A_99] : memref<80x128xf32, #tpu.memory_space<vmem>> -> memref<40x128xf32, #tpu.memory_space<vmem>>
      tpu.wait_dma2 semaphore(%arg20 : memref<!tpu.dma_semaphore, #tpu.memory_space<semaphore_mem>>) src(%dma_wait3A_100 : memref<40x128xf32, #tpu.memory_space<vmem>>) dst(%dma_wait3A_97 : memref<40x128xf32, #tpu.memory_space<vmem_shared>>)
      %dma_wait3A_101 = arith.constant 0 : i32
      %dma_wait3A_102 = arith.constant 0 : i32
      %dma_wait3A_103 = tpu.memref_slice %arg12[%dma_wait3A_101, %dma_wait3A_102] : memref<80x128xf32, #tpu.memory_space<vmem>> -> memref<40x128xf32, #tpu.memory_space<vmem>>
      %dma_wait3A_104 = arith.constant 0 : i32
      %dma_wait3A_105 = arith.constant 0 : i32
      %dma_wait3A_106 = tpu.memref_slice %arg13[%dma_wait3A_104, %dma_wait3A_105] : memref<10000x128xf32, #tpu.memory_space<vmem_shared>> -> memref<40x128xf32, #tpu.memory_space<vmem_shared>>
      %dma_wait3A_107 = arith.constant 0 : i32
      %dma_wait3A_108 = arith.constant 0 : i32
      %dma_wait3A_109 = tpu.memref_slice %arg13[%dma_wait3A_107, %dma_wait3A_108] : memref<10000x128xf32, #tpu.memory_space<vmem_shared>> -> memref<40x128xf32, #tpu.memory_space<vmem_shared>>
      %dma_wait3A_110 = arith.constant 0 : i32
      %dma_wait3A_111 = arith.constant 0 : i32
      %dma_wait3A_112 = tpu.memref_slice %arg12[%dma_wait3A_110, %dma_wait3A_111] : memref<80x128xf32, #tpu.memory_space<vmem>> -> memref<40x128xf32, #tpu.memory_space<vmem>>
      tpu.wait_dma2 semaphore(%arg20 : memref<!tpu.dma_semaphore, #tpu.memory_space<semaphore_mem>>) src(%dma_wait3A_112 : memref<40x128xf32, #tpu.memory_space<vmem>>) dst(%dma_wait3A_109 : memref<40x128xf32, #tpu.memory_space<vmem_shared>>)
      %dma_wait3A_113 = arith.constant 0 : i32
      %dma_wait3A_114 = arith.constant 0 : i32
      %dma_wait3A_115 = tpu.memref_slice %arg12[%dma_wait3A_113, %dma_wait3A_114] : memref<80x128xf32, #tpu.memory_space<vmem>> -> memref<40x128xf32, #tpu.memory_space<vmem>>
      %dma_wait3A_116 = arith.constant 0 : i32
      %dma_wait3A_117 = arith.constant 0 : i32
      %dma_wait3A_118 = tpu.memref_slice %arg13[%dma_wait3A_116, %dma_wait3A_117] : memref<10000x128xf32, #tpu.memory_space<vmem_shared>> -> memref<40x128xf32, #tpu.memory_space<vmem_shared>>
      %dma_wait3A_119 = arith.constant 0 : i32
      %dma_wait3A_120 = arith.constant 0 : i32
      %dma_wait3A_121 = tpu.memref_slice %arg13[%dma_wait3A_119, %dma_wait3A_120] : memref<10000x128xf32, #tpu.memory_space<vmem_shared>> -> memref<40x128xf32, #tpu.memory_space<vmem_shared>>
      %dma_wait3A_122 = arith.constant 0 : i32
      %dma_wait3A_123 = arith.constant 0 : i32
      %dma_wait3A_124 = tpu.memref_slice %arg12[%dma_wait3A_122, %dma_wait3A_123] : memref<80x128xf32, #tpu.memory_space<vmem>> -> memref<40x128xf32, #tpu.memory_space<vmem>>
      tpu.wait_dma2 semaphore(%arg20 : memref<!tpu.dma_semaphore, #tpu.memory_space<semaphore_mem>>) src(%dma_wait3A_124 : memref<40x128xf32, #tpu.memory_space<vmem>>) dst(%dma_wait3A_121 : memref<40x128xf32, #tpu.memory_space<vmem_shared>>)
      %dma_wait3A_125 = arith.constant 0 : i32
      %dma_wait3A_126 = arith.constant 0 : i32
      %dma_wait3A_127 = tpu.memref_slice %arg12[%dma_wait3A_125, %dma_wait3A_126] : memref<80x128xf32, #tpu.memory_space<vmem>> -> memref<40x128xf32, #tpu.memory_space<vmem>>
      %dma_wait3A_128 = arith.constant 0 : i32
      %dma_wait3A_129 = arith.constant 0 : i32
      %dma_wait3A_130 = tpu.memref_slice %arg13[%dma_wait3A_128, %dma_wait3A_129] : memref<10000x128xf32, #tpu.memory_space<vmem_shared>> -> memref<40x128xf32, #tpu.memory_space<vmem_shared>>
      %dma_wait3A_131 = arith.constant 0 : i32
      %dma_wait3A_132 = arith.constant 0 : i32
      %dma_wait3A_133 = tpu.memref_slice %arg13[%dma_wait3A_131, %dma_wait3A_132] : memref<10000x128xf32, #tpu.memory_space<vmem_shared>> -> memref<40x128xf32, #tpu.memory_space<vmem_shared>>
      %dma_wait3A_134 = arith.constant 0 : i32
      %dma_wait3A_135 = arith.constant 0 : i32
      %dma_wait3A_136 = tpu.memref_slice %arg12[%dma_wait3A_134, %dma_wait3A_135] : memref<80x128xf32, #tpu.memory_space<vmem>> -> memref<40x128xf32, #tpu.memory_space<vmem>>
      tpu.wait_dma2 semaphore(%arg20 : memref<!tpu.dma_semaphore, #tpu.memory_space<semaphore_mem>>) src(%dma_wait3A_136 : memref<40x128xf32, #tpu.memory_space<vmem>>) dst(%dma_wait3A_133 : memref<40x128xf32, #tpu.memory_space<vmem_shared>>)
      %dma_wait3A_137 = arith.constant 0 : i32
      %dma_wait3A_138 = arith.constant 0 : i32
      %dma_wait3A_139 = tpu.memref_slice %arg12[%dma_wait3A_137, %dma_wait3A_138] : memref<80x128xf32, #tpu.memory_space<vmem>> -> memref<40x128xf32, #tpu.memory_space<vmem>>
      %dma_wait3A_140 = arith.constant 0 : i32
      %dma_wait3A_141 = arith.constant 0 : i32
      %dma_wait3A_142 = tpu.memref_slice %arg13[%dma_wait3A_140, %dma_wait3A_141] : memref<10000x128xf32, #tpu.memory_space<vmem_shared>> -> memref<40x128xf32, #tpu.memory_space<vmem_shared>>
      %dma_wait3A_143 = arith.constant 0 : i32
      %dma_wait3A_144 = arith.constant 0 : i32
      %dma_wait3A_145 = tpu.memref_slice %arg13[%dma_wait3A_143, %dma_wait3A_144] : memref<10000x128xf32, #tpu.memory_space<vmem_shared>> -> memref<40x128xf32, #tpu.memory_space<vmem_shared>>
      %dma_wait3A_146 = arith.constant 0 : i32
      %dma_wait3A_147 = arith.constant 0 : i32
      %dma_wait3A_148 = tpu.memref_slice %arg12[%dma_wait3A_146, %dma_wait3A_147] : memref<80x128xf32, #tpu.memory_space<vmem>> -> memref<40x128xf32, #tpu.memory_space<vmem>>
      tpu.wait_dma2 semaphore(%arg20 : memref<!tpu.dma_semaphore, #tpu.memory_space<semaphore_mem>>) src(%dma_wait3A_148 : memref<40x128xf32, #tpu.memory_space<vmem>>) dst(%dma_wait3A_145 : memref<40x128xf32, #tpu.memory_space<vmem_shared>>)
      %dma_wait3A_149 = arith.constant 0 : i32
      %dma_wait3A_150 = arith.constant 0 : i32
      %dma_wait3A_151 = tpu.memref_slice %arg12[%dma_wait3A_149, %dma_wait3A_150] : memref<80x128xf32, #tpu.memory_space<vmem>> -> memref<40x128xf32, #tpu.memory_space<vmem>>
      %dma_wait3A_152 = arith.constant 0 : i32
      %dma_wait3A_153 = arith.constant 0 : i32
      %dma_wait3A_154 = tpu.memref_slice %arg13[%dma_wait3A_152, %dma_wait3A_153] : memref<10000x128xf32, #tpu.memory_space<vmem_shared>> -> memref<40x128xf32, #tpu.memory_space<vmem_shared>>
      %dma_wait3A_155 = arith.constant 0 : i32
      %dma_wait3A_156 = arith.constant 0 : i32
      %dma_wait3A_157 = tpu.memref_slice %arg13[%dma_wait3A_155, %dma_wait3A_156] : memref<10000x128xf32, #tpu.memory_space<vmem_shared>> -> memref<40x128xf32, #tpu.memory_space<vmem_shared>>
      %dma_wait3A_158 = arith.constant 0 : i32
      %dma_wait3A_159 = arith.constant 0 : i32
      %dma_wait3A_160 = tpu.memref_slice %arg12[%dma_wait3A_158, %dma_wait3A_159] : memref<80x128xf32, #tpu.memory_space<vmem>> -> memref<40x128xf32, #tpu.memory_space<vmem>>
      tpu.wait_dma2 semaphore(%arg20 : memref<!tpu.dma_semaphore, #tpu.memory_space<semaphore_mem>>) src(%dma_wait3A_160 : memref<40x128xf32, #tpu.memory_space<vmem>>) dst(%dma_wait3A_157 : memref<40x128xf32, #tpu.memory_space<vmem_shared>>)
      %dma_wait3A_161 = arith.constant 0 : i32
      %dma_wait3A_162 = arith.constant 0 : i32
      %dma_wait3A_163 = tpu.memref_slice %arg12[%dma_wait3A_161, %dma_wait3A_162] : memref<80x128xf32, #tpu.memory_space<vmem>> -> memref<40x128xf32, #tpu.memory_space<vmem>>
      %dma_wait3A_164 = arith.constant 0 : i32
      %dma_wait3A_165 = arith.constant 0 : i32
      %dma_wait3A_166 = tpu.memref_slice %arg13[%dma_wait3A_164, %dma_wait3A_165] : memref<10000x128xf32, #tpu.memory_space<vmem_shared>> -> memref<40x128xf32, #tpu.memory_space<vmem_shared>>
      %dma_wait3A_167 = arith.constant 0 : i32
      %dma_wait3A_168 = arith.constant 0 : i32
      %dma_wait3A_169 = tpu.memref_slice %arg13[%dma_wait3A_167, %dma_wait3A_168] : memref<10000x128xf32, #tpu.memory_space<vmem_shared>> -> memref<40x128xf32, #tpu.memory_space<vmem_shared>>
      %dma_wait3A_170 = arith.constant 0 : i32
      %dma_wait3A_171 = arith.constant 0 : i32
      %dma_wait3A_172 = tpu.memref_slice %arg12[%dma_wait3A_170, %dma_wait3A_171] : memref<80x128xf32, #tpu.memory_space<vmem>> -> memref<40x128xf32, #tpu.memory_space<vmem>>
      tpu.wait_dma2 semaphore(%arg20 : memref<!tpu.dma_semaphore, #tpu.memory_space<semaphore_mem>>) src(%dma_wait3A_172 : memref<40x128xf32, #tpu.memory_space<vmem>>) dst(%dma_wait3A_169 : memref<40x128xf32, #tpu.memory_space<vmem_shared>>)
      %dma_wait3A_173 = arith.constant 0 : i32
      %dma_wait3A_174 = arith.constant 0 : i32
      %dma_wait3A_175 = tpu.memref_slice %arg12[%dma_wait3A_173, %dma_wait3A_174] : memref<80x128xf32, #tpu.memory_space<vmem>> -> memref<40x128xf32, #tpu.memory_space<vmem>>
      %dma_wait3A_176 = arith.constant 0 : i32
      %dma_wait3A_177 = arith.constant 0 : i32
      %dma_wait3A_178 = tpu.memref_slice %arg13[%dma_wait3A_176, %dma_wait3A_177] : memref<10000x128xf32, #tpu.memory_space<vmem_shared>> -> memref<40x128xf32, #tpu.memory_space<vmem_shared>>
      %dma_wait3A_179 = arith.constant 0 : i32
      %dma_wait3A_180 = arith.constant 0 : i32
      %dma_wait3A_181 = tpu.memref_slice %arg13[%dma_wait3A_179, %dma_wait3A_180] : memref<10000x128xf32, #tpu.memory_space<vmem_shared>> -> memref<40x128xf32, #tpu.memory_space<vmem_shared>>
      %dma_wait3A_182 = arith.constant 0 : i32
      %dma_wait3A_183 = arith.constant 0 : i32
      %dma_wait3A_184 = tpu.memref_slice %arg12[%dma_wait3A_182, %dma_wait3A_183] : memref<80x128xf32, #tpu.memory_space<vmem>> -> memref<40x128xf32, #tpu.memory_space<vmem>>
      tpu.wait_dma2 semaphore(%arg20 : memref<!tpu.dma_semaphore, #tpu.memory_space<semaphore_mem>>) src(%dma_wait3A_184 : memref<40x128xf32, #tpu.memory_space<vmem>>) dst(%dma_wait3A_181 : memref<40x128xf32, #tpu.memory_space<vmem_shared>>)
      %dma_wait3A_185 = arith.constant 0 : i32
      %dma_wait3A_186 = arith.constant 0 : i32
      %dma_wait3A_187 = tpu.memref_slice %arg12[%dma_wait3A_185, %dma_wait3A_186] : memref<80x128xf32, #tpu.memory_space<vmem>> -> memref<40x128xf32, #tpu.memory_space<vmem>>
      %dma_wait3A_188 = arith.constant 0 : i32
      %dma_wait3A_189 = arith.constant 0 : i32
      %dma_wait3A_190 = tpu.memref_slice %arg13[%dma_wait3A_188, %dma_wait3A_189] : memref<10000x128xf32, #tpu.memory_space<vmem_shared>> -> memref<40x128xf32, #tpu.memory_space<vmem_shared>>
      %dma_wait3A_191 = arith.constant 0 : i32
      %dma_wait3A_192 = arith.constant 0 : i32
      %dma_wait3A_193 = tpu.memref_slice %arg13[%dma_wait3A_191, %dma_wait3A_192] : memref<10000x128xf32, #tpu.memory_space<vmem_shared>> -> memref<40x128xf32, #tpu.memory_space<vmem_shared>>
      %dma_wait3A_194 = arith.constant 0 : i32
      %dma_wait3A_195 = arith.constant 0 : i32
      %dma_wait3A_196 = tpu.memref_slice %arg12[%dma_wait3A_194, %dma_wait3A_195] : memref<80x128xf32, #tpu.memory_space<vmem>> -> memref<40x128xf32, #tpu.memory_space<vmem>>
      tpu.wait_dma2 semaphore(%arg20 : memref<!tpu.dma_semaphore, #tpu.memory_space<semaphore_mem>>) src(%dma_wait3A_196 : memref<40x128xf32, #tpu.memory_space<vmem>>) dst(%dma_wait3A_193 : memref<40x128xf32, #tpu.memory_space<vmem_shared>>)
      %dma_wait3A_197 = arith.constant 0 : i32
      %dma_wait3A_198 = arith.constant 0 : i32
      %dma_wait3A_199 = tpu.memref_slice %arg12[%dma_wait3A_197, %dma_wait3A_198] : memref<80x128xf32, #tpu.memory_space<vmem>> -> memref<40x128xf32, #tpu.memory_space<vmem>>
      %dma_wait3A_200 = arith.constant 0 : i32
      %dma_wait3A_201 = arith.constant 0 : i32
      %dma_wait3A_202 = tpu.memref_slice %arg13[%dma_wait3A_200, %dma_wait3A_201] : memref<10000x128xf32, #tpu.memory_space<vmem_shared>> -> memref<40x128xf32, #tpu.memory_space<vmem_shared>>
      %dma_wait3A_203 = arith.constant 0 : i32
      %dma_wait3A_204 = arith.constant 0 : i32
      %dma_wait3A_205 = tpu.memref_slice %arg13[%dma_wait3A_203, %dma_wait3A_204] : memref<10000x128xf32, #tpu.memory_space<vmem_shared>> -> memref<40x128xf32, #tpu.memory_space<vmem_shared>>
      %dma_wait3A_206 = arith.constant 0 : i32
      %dma_wait3A_207 = arith.constant 0 : i32
      %dma_wait3A_208 = tpu.memref_slice %arg12[%dma_wait3A_206, %dma_wait3A_207] : memref<80x128xf32, #tpu.memory_space<vmem>> -> memref<40x128xf32, #tpu.memory_space<vmem>>
      tpu.wait_dma2 semaphore(%arg20 : memref<!tpu.dma_semaphore, #tpu.memory_space<semaphore_mem>>) src(%dma_wait3A_208 : memref<40x128xf32, #tpu.memory_space<vmem>>) dst(%dma_wait3A_205 : memref<40x128xf32, #tpu.memory_space<vmem_shared>>)
      %dma_wait3A_209 = arith.constant 0 : i32
      %dma_wait3A_210 = arith.constant 0 : i32
      %dma_wait3A_211 = tpu.memref_slice %arg12[%dma_wait3A_209, %dma_wait3A_210] : memref<80x128xf32, #tpu.memory_space<vmem>> -> memref<40x128xf32, #tpu.memory_space<vmem>>
      %dma_wait3A_212 = arith.constant 0 : i32
      %dma_wait3A_213 = arith.constant 0 : i32
      %dma_wait3A_214 = tpu.memref_slice %arg13[%dma_wait3A_212, %dma_wait3A_213] : memref<10000x128xf32, #tpu.memory_space<vmem_shared>> -> memref<40x128xf32, #tpu.memory_space<vmem_shared>>
      %dma_wait3A_215 = arith.constant 0 : i32
      %dma_wait3A_216 = arith.constant 0 : i32
      %dma_wait3A_217 = tpu.memref_slice %arg13[%dma_wait3A_215, %dma_wait3A_216] : memref<10000x128xf32, #tpu.memory_space<vmem_shared>> -> memref<40x128xf32, #tpu.memory_space<vmem_shared>>
      %dma_wait3A_218 = arith.constant 0 : i32
      %dma_wait3A_219 = arith.constant 0 : i32
      %dma_wait3A_220 = tpu.memref_slice %arg12[%dma_wait3A_218, %dma_wait3A_219] : memref<80x128xf32, #tpu.memory_space<vmem>> -> memref<40x128xf32, #tpu.memory_space<vmem>>
      tpu.wait_dma2 semaphore(%arg20 : memref<!tpu.dma_semaphore, #tpu.memory_space<semaphore_mem>>) src(%dma_wait3A_220 : memref<40x128xf32, #tpu.memory_space<vmem>>) dst(%dma_wait3A_217 : memref<40x128xf32, #tpu.memory_space<vmem_shared>>)
      %dma_wait3A_221 = arith.constant 0 : i32
      %dma_wait3A_222 = arith.constant 0 : i32
      %dma_wait3A_223 = tpu.memref_slice %arg12[%dma_wait3A_221, %dma_wait3A_222] : memref<80x128xf32, #tpu.memory_space<vmem>> -> memref<40x128xf32, #tpu.memory_space<vmem>>
      %dma_wait3A_224 = arith.constant 0 : i32
      %dma_wait3A_225 = arith.constant 0 : i32
      %dma_wait3A_226 = tpu.memref_slice %arg13[%dma_wait3A_224, %dma_wait3A_225] : memref<10000x128xf32, #tpu.memory_space<vmem_shared>> -> memref<40x128xf32, #tpu.memory_space<vmem_shared>>
      %dma_wait3A_227 = arith.constant 0 : i32
      %dma_wait3A_228 = arith.constant 0 : i32
      %dma_wait3A_229 = tpu.memref_slice %arg13[%dma_wait3A_227, %dma_wait3A_228] : memref<10000x128xf32, #tpu.memory_space<vmem_shared>> -> memref<40x128xf32, #tpu.memory_space<vmem_shared>>
      %dma_wait3A_230 = arith.constant 0 : i32
      %dma_wait3A_231 = arith.constant 0 : i32
      %dma_wait3A_232 = tpu.memref_slice %arg12[%dma_wait3A_230, %dma_wait3A_231] : memref<80x128xf32, #tpu.memory_space<vmem>> -> memref<40x128xf32, #tpu.memory_space<vmem>>
      tpu.wait_dma2 semaphore(%arg20 : memref<!tpu.dma_semaphore, #tpu.memory_space<semaphore_mem>>) src(%dma_wait3A_232 : memref<40x128xf32, #tpu.memory_space<vmem>>) dst(%dma_wait3A_229 : memref<40x128xf32, #tpu.memory_space<vmem_shared>>)
      %dma_wait3A_233 = arith.constant 0 : i32
      %dma_wait3A_234 = arith.constant 0 : i32
      %dma_wait3A_235 = tpu.memref_slice %arg12[%dma_wait3A_233, %dma_wait3A_234] : memref<80x128xf32, #tpu.memory_space<vmem>> -> memref<40x128xf32, #tpu.memory_space<vmem>>
      %dma_wait3A_236 = arith.constant 0 : i32
      %dma_wait3A_237 = arith.constant 0 : i32
      %dma_wait3A_238 = tpu.memref_slice %arg13[%dma_wait3A_236, %dma_wait3A_237] : memref<10000x128xf32, #tpu.memory_space<vmem_shared>> -> memref<40x128xf32, #tpu.memory_space<vmem_shared>>
      %dma_wait3A_239 = arith.constant 0 : i32
      %dma_wait3A_240 = arith.constant 0 : i32
      %dma_wait3A_241 = tpu.memref_slice %arg13[%dma_wait3A_239, %dma_wait3A_240] : memref<10000x128xf32, #tpu.memory_space<vmem_shared>> -> memref<40x128xf32, #tpu.memory_space<vmem_shared>>
      %dma_wait3A_242 = arith.constant 0 : i32
      %dma_wait3A_243 = arith.constant 0 : i32
      %dma_wait3A_244 = tpu.memref_slice %arg12[%dma_wait3A_242, %dma_wait3A_243] : memref<80x128xf32, #tpu.memory_space<vmem>> -> memref<40x128xf32, #tpu.memory_space<vmem>>
      tpu.wait_dma2 semaphore(%arg20 : memref<!tpu.dma_semaphore, #tpu.memory_space<semaphore_mem>>) src(%dma_wait3A_244 : memref<40x128xf32, #tpu.memory_space<vmem>>) dst(%dma_wait3A_241 : memref<40x128xf32, #tpu.memory_space<vmem_shared>>)
      %dma_wait3A_245 = arith.constant 0 : i32
      %dma_wait3A_246 = arith.constant 0 : i32
      %dma_wait3A_247 = tpu.memref_slice %arg12[%dma_wait3A_245, %dma_wait3A_246] : memref<80x128xf32, #tpu.memory_space<vmem>> -> memref<40x128xf32, #tpu.memory_space<vmem>>
      %dma_wait3A_248 = arith.constant 0 : i32
      %dma_wait3A_249 = arith.constant 0 : i32
      %dma_wait3A_250 = tpu.memref_slice %arg13[%dma_wait3A_248, %dma_wait3A_249] : memref<10000x128xf32, #tpu.memory_space<vmem_shared>> -> memref<40x128xf32, #tpu.memory_space<vmem_shared>>
      %dma_wait3A_251 = arith.constant 0 : i32
      %dma_wait3A_252 = arith.constant 0 : i32
      %dma_wait3A_253 = tpu.memref_slice %arg13[%dma_wait3A_251, %dma_wait3A_252] : memref<10000x128xf32, #tpu.memory_space<vmem_shared>> -> memref<40x128xf32, #tpu.memory_space<vmem_shared>>
      %dma_wait3A_254 = arith.constant 0 : i32
      %dma_wait3A_255 = arith.constant 0 : i32
      %dma_wait3A_256 = tpu.memref_slice %arg12[%dma_wait3A_254, %dma_wait3A_255] : memref<80x128xf32, #tpu.memory_space<vmem>> -> memref<40x128xf32, #tpu.memory_space<vmem>>
      tpu.wait_dma2 semaphore(%arg20 : memref<!tpu.dma_semaphore, #tpu.memory_space<semaphore_mem>>) src(%dma_wait3A_256 : memref<40x128xf32, #tpu.memory_space<vmem>>) dst(%dma_wait3A_253 : memref<40x128xf32, #tpu.memory_space<vmem_shared>>)
      %dma_wait3A_257 = arith.constant 0 : i32
      %dma_wait3A_258 = arith.constant 0 : i32
      %dma_wait3A_259 = tpu.memref_slice %arg12[%dma_wait3A_257, %dma_wait3A_258] : memref<80x128xf32, #tpu.memory_space<vmem>> -> memref<40x128xf32, #tpu.memory_space<vmem>>
      %dma_wait3A_260 = arith.constant 0 : i32
      %dma_wait3A_261 = arith.constant 0 : i32
      %dma_wait3A_262 = tpu.memref_slice %arg13[%dma_wait3A_260, %dma_wait3A_261] : memref<10000x128xf32, #tpu.memory_space<vmem_shared>> -> memref<40x128xf32, #tpu.memory_space<vmem_shared>>
      %dma_wait3A_263 = arith.constant 0 : i32
      %dma_wait3A_264 = arith.constant 0 : i32
      %dma_wait3A_265 = tpu.memref_slice %arg13[%dma_wait3A_263, %dma_wait3A_264] : memref<10000x128xf32, #tpu.memory_space<vmem_shared>> -> memref<40x128xf32, #tpu.memory_space<vmem_shared>>
      %dma_wait3A_266 = arith.constant 0 : i32
      %dma_wait3A_267 = arith.constant 0 : i32
      %dma_wait3A_268 = tpu.memref_slice %arg12[%dma_wait3A_266, %dma_wait3A_267] : memref<80x128xf32, #tpu.memory_space<vmem>> -> memref<40x128xf32, #tpu.memory_space<vmem>>
      tpu.wait_dma2 semaphore(%arg20 : memref<!tpu.dma_semaphore, #tpu.memory_space<semaphore_mem>>) src(%dma_wait3A_268 : memref<40x128xf32, #tpu.memory_space<vmem>>) dst(%dma_wait3A_265 : memref<40x128xf32, #tpu.memory_space<vmem_shared>>)
      %dma_wait3A_269 = arith.constant 0 : i32
      %dma_wait3A_270 = arith.constant 0 : i32
      %dma_wait3A_271 = tpu.memref_slice %arg12[%dma_wait3A_269, %dma_wait3A_270] : memref<80x128xf32, #tpu.memory_space<vmem>> -> memref<40x128xf32, #tpu.memory_space<vmem>>
      %dma_wait3A_272 = arith.constant 0 : i32
      %dma_wait3A_273 = arith.constant 0 : i32
      %dma_wait3A_274 = tpu.memref_slice %arg13[%dma_wait3A_272, %dma_wait3A_273] : memref<10000x128xf32, #tpu.memory_space<vmem_shared>> -> memref<40x128xf32, #tpu.memory_space<vmem_shared>>
      %dma_wait3A_275 = arith.constant 0 : i32
      %dma_wait3A_276 = arith.constant 0 : i32
      %dma_wait3A_277 = tpu.memref_slice %arg13[%dma_wait3A_275, %dma_wait3A_276] : memref<10000x128xf32, #tpu.memory_space<vmem_shared>> -> memref<40x128xf32, #tpu.memory_space<vmem_shared>>
      %dma_wait3A_278 = arith.constant 0 : i32
      %dma_wait3A_279 = arith.constant 0 : i32
      %dma_wait3A_280 = tpu.memref_slice %arg12[%dma_wait3A_278, %dma_wait3A_279] : memref<80x128xf32, #tpu.memory_space<vmem>> -> memref<40x128xf32, #tpu.memory_space<vmem>>
      tpu.wait_dma2 semaphore(%arg20 : memref<!tpu.dma_semaphore, #tpu.memory_space<semaphore_mem>>) src(%dma_wait3A_280 : memref<40x128xf32, #tpu.memory_space<vmem>>) dst(%dma_wait3A_277 : memref<40x128xf32, #tpu.memory_space<vmem_shared>>)
      %dma_wait3A_281 = arith.constant 0 : i32
      %dma_wait3A_282 = arith.constant 0 : i32
      %dma_wait3A_283 = tpu.memref_slice %arg12[%dma_wait3A_281, %dma_wait3A_282] : memref<80x128xf32, #tpu.memory_space<vmem>> -> memref<40x128xf32, #tpu.memory_space<vmem>>
      %dma_wait3A_284 = arith.constant 0 : i32
      %dma_wait3A_285 = arith.constant 0 : i32
      %dma_wait3A_286 = tpu.memref_slice %arg13[%dma_wait3A_284, %dma_wait3A_285] : memref<10000x128xf32, #tpu.memory_space<vmem_shared>> -> memref<40x128xf32, #tpu.memory_space<vmem_shared>>
      %dma_wait3A_287 = arith.constant 0 : i32
      %dma_wait3A_288 = arith.constant 0 : i32
      %dma_wait3A_289 = tpu.memref_slice %arg13[%dma_wait3A_287, %dma_wait3A_288] : memref<10000x128xf32, #tpu.memory_space<vmem_shared>> -> memref<40x128xf32, #tpu.memory_space<vmem_shared>>
      %dma_wait3A_290 = arith.constant 0 : i32
      %dma_wait3A_291 = arith.constant 0 : i32
      %dma_wait3A_292 = tpu.memref_slice %arg12[%dma_wait3A_290, %dma_wait3A_291] : memref<80x128xf32, #tpu.memory_space<vmem>> -> memref<40x128xf32, #tpu.memory_space<vmem>>
      tpu.wait_dma2 semaphore(%arg20 : memref<!tpu.dma_semaphore, #tpu.memory_space<semaphore_mem>>) src(%dma_wait3A_292 : memref<40x128xf32, #tpu.memory_space<vmem>>) dst(%dma_wait3A_289 : memref<40x128xf32, #tpu.memory_space<vmem_shared>>)
      %dma_wait3A_293 = arith.constant 0 : i32
      %dma_wait3A_294 = arith.constant 0 : i32
      %dma_wait3A_295 = tpu.memref_slice %arg12[%dma_wait3A_293, %dma_wait3A_294] : memref<80x128xf32, #tpu.memory_space<vmem>> -> memref<40x128xf32, #tpu.memory_space<vmem>>
      %dma_wait3A_296 = arith.constant 0 : i32
      %dma_wait3A_297 = arith.constant 0 : i32
      %dma_wait3A_298 = tpu.memref_slice %arg13[%dma_wait3A_296, %dma_wait3A_297] : memref<10000x128xf32, #tpu.memory_space<vmem_shared>> -> memref<40x128xf32, #tpu.memory_space<vmem_shared>>
      %dma_wait3A_299 = arith.constant 0 : i32
      %dma_wait3A_300 = arith.constant 0 : i32
      %dma_wait3A_301 = tpu.memref_slice %arg13[%dma_wait3A_299, %dma_wait3A_300] : memref<10000x128xf32, #tpu.memory_space<vmem_shared>> -> memref<40x128xf32, #tpu.memory_space<vmem_shared>>
      %dma_wait3A_302 = arith.constant 0 : i32
      %dma_wait3A_303 = arith.constant 0 : i32
      %dma_wait3A_304 = tpu.memref_slice %arg12[%dma_wait3A_302, %dma_wait3A_303] : memref<80x128xf32, #tpu.memory_space<vmem>> -> memref<40x128xf32, #tpu.memory_space<vmem>>
      tpu.wait_dma2 semaphore(%arg20 : memref<!tpu.dma_semaphore, #tpu.memory_space<semaphore_mem>>) src(%dma_wait3A_304 : memref<40x128xf32, #tpu.memory_space<vmem>>) dst(%dma_wait3A_301 : memref<40x128xf32, #tpu.memory_space<vmem_shared>>)
      %dma_wait3A_305 = arith.constant 0 : i32
      %dma_wait3A_306 = arith.constant 0 : i32
      %dma_wait3A_307 = tpu.memref_slice %arg12[%dma_wait3A_305, %dma_wait3A_306] : memref<80x128xf32, #tpu.memory_space<vmem>> -> memref<40x128xf32, #tpu.memory_space<vmem>>
      %dma_wait3A_308 = arith.constant 0 : i32
      %dma_wait3A_309 = arith.constant 0 : i32
      %dma_wait3A_310 = tpu.memref_slice %arg13[%dma_wait3A_308, %dma_wait3A_309] : memref<10000x128xf32, #tpu.memory_space<vmem_shared>> -> memref<40x128xf32, #tpu.memory_space<vmem_shared>>
      %dma_wait3A_311 = arith.constant 0 : i32
      %dma_wait3A_312 = arith.constant 0 : i32
      %dma_wait3A_313 = tpu.memref_slice %arg13[%dma_wait3A_311, %dma_wait3A_312] : memref<10000x128xf32, #tpu.memory_space<vmem_shared>> -> memref<40x128xf32, #tpu.memory_space<vmem_shared>>
      %dma_wait3A_314 = arith.constant 0 : i32
      %dma_wait3A_315 = arith.constant 0 : i32
      %dma_wait3A_316 = tpu.memref_slice %arg12[%dma_wait3A_314, %dma_wait3A_315] : memref<80x128xf32, #tpu.memory_space<vmem>> -> memref<40x128xf32, #tpu.memory_space<vmem>>
      tpu.wait_dma2 semaphore(%arg20 : memref<!tpu.dma_semaphore, #tpu.memory_space<semaphore_mem>>) src(%dma_wait3A_316 : memref<40x128xf32, #tpu.memory_space<vmem>>) dst(%dma_wait3A_313 : memref<40x128xf32, #tpu.memory_space<vmem_shared>>)
      %dma_wait3A_317 = arith.constant 0 : i32
      %dma_wait3A_318 = arith.constant 0 : i32
      %dma_wait3A_319 = tpu.memref_slice %arg12[%dma_wait3A_317, %dma_wait3A_318] : memref<80x128xf32, #tpu.memory_space<vmem>> -> memref<40x128xf32, #tpu.memory_space<vmem>>
      %dma_wait3A_320 = arith.constant 0 : i32
      %dma_wait3A_321 = arith.constant 0 : i32
      %dma_wait3A_322 = tpu.memref_slice %arg13[%dma_wait3A_320, %dma_wait3A_321] : memref<10000x128xf32, #tpu.memory_space<vmem_shared>> -> memref<40x128xf32, #tpu.memory_space<vmem_shared>>
      %dma_wait3A_323 = arith.constant 0 : i32
      %dma_wait3A_324 = arith.constant 0 : i32
      %dma_wait3A_325 = tpu.memref_slice %arg13[%dma_wait3A_323, %dma_wait3A_324] : memref<10000x128xf32, #tpu.memory_space<vmem_shared>> -> memref<40x128xf32, #tpu.memory_space<vmem_shared>>
      %dma_wait3A_326 = arith.constant 0 : i32
      %dma_wait3A_327 = arith.constant 0 : i32
      %dma_wait3A_328 = tpu.memref_slice %arg12[%dma_wait3A_326, %dma_wait3A_327] : memref<80x128xf32, #tpu.memory_space<vmem>> -> memref<40x128xf32, #tpu.memory_space<vmem>>
      tpu.wait_dma2 semaphore(%arg20 : memref<!tpu.dma_semaphore, #tpu.memory_space<semaphore_mem>>) src(%dma_wait3A_328 : memref<40x128xf32, #tpu.memory_space<vmem>>) dst(%dma_wait3A_325 : memref<40x128xf32, #tpu.memory_space<vmem_shared>>)
      %dma_wait3A_329 = arith.constant 0 : i32
      %dma_wait3A_330 = arith.constant 0 : i32
      %dma_wait3A_331 = tpu.memref_slice %arg12[%dma_wait3A_329, %dma_wait3A_330] : memref<80x128xf32, #tpu.memory_space<vmem>> -> memref<40x128xf32, #tpu.memory_space<vmem>>
      %dma_wait3A_332 = arith.constant 0 : i32
      %dma_wait3A_333 = arith.constant 0 : i32
      %dma_wait3A_334 = tpu.memref_slice %arg13[%dma_wait3A_332, %dma_wait3A_333] : memref<10000x128xf32, #tpu.memory_space<vmem_shared>> -> memref<40x128xf32, #tpu.memory_space<vmem_shared>>
      %dma_wait3A_335 = arith.constant 0 : i32
      %dma_wait3A_336 = arith.constant 0 : i32
      %dma_wait3A_337 = tpu.memref_slice %arg13[%dma_wait3A_335, %dma_wait3A_336] : memref<10000x128xf32, #tpu.memory_space<vmem_shared>> -> memref<40x128xf32, #tpu.memory_space<vmem_shared>>
      %dma_wait3A_338 = arith.constant 0 : i32
      %dma_wait3A_339 = arith.constant 0 : i32
      %dma_wait3A_340 = tpu.memref_slice %arg12[%dma_wait3A_338, %dma_wait3A_339] : memref<80x128xf32, #tpu.memory_space<vmem>> -> memref<40x128xf32, #tpu.memory_space<vmem>>
      tpu.wait_dma2 semaphore(%arg20 : memref<!tpu.dma_semaphore, #tpu.memory_space<semaphore_mem>>) src(%dma_wait3A_340 : memref<40x128xf32, #tpu.memory_space<vmem>>) dst(%dma_wait3A_337 : memref<40x128xf32, #tpu.memory_space<vmem_shared>>)
      %dma_wait3A_341 = arith.constant 0 : i32
      %dma_wait3A_342 = arith.constant 0 : i32
      %dma_wait3A_343 = tpu.memref_slice %arg12[%dma_wait3A_341, %dma_wait3A_342] : memref<80x128xf32, #tpu.memory_space<vmem>> -> memref<40x128xf32, #tpu.memory_space<vmem>>
      %dma_wait3A_344 = arith.constant 0 : i32
      %dma_wait3A_345 = arith.constant 0 : i32
      %dma_wait3A_346 = tpu.memref_slice %arg13[%dma_wait3A_344, %dma_wait3A_345] : memref<10000x128xf32, #tpu.memory_space<vmem_shared>> -> memref<40x128xf32, #tpu.memory_space<vmem_shared>>
      %dma_wait3A_347 = arith.constant 0 : i32
      %dma_wait3A_348 = arith.constant 0 : i32
      %dma_wait3A_349 = tpu.memref_slice %arg13[%dma_wait3A_347, %dma_wait3A_348] : memref<10000x128xf32, #tpu.memory_space<vmem_shared>> -> memref<40x128xf32, #tpu.memory_space<vmem_shared>>
      %dma_wait3A_350 = arith.constant 0 : i32
      %dma_wait3A_351 = arith.constant 0 : i32
      %dma_wait3A_352 = tpu.memref_slice %arg12[%dma_wait3A_350, %dma_wait3A_351] : memref<80x128xf32, #tpu.memory_space<vmem>> -> memref<40x128xf32, #tpu.memory_space<vmem>>
      tpu.wait_dma2 semaphore(%arg20 : memref<!tpu.dma_semaphore, #tpu.memory_space<semaphore_mem>>) src(%dma_wait3A_352 : memref<40x128xf32, #tpu.memory_space<vmem>>) dst(%dma_wait3A_349 : memref<40x128xf32, #tpu.memory_space<vmem_shared>>)
      %dma_wait3A_353 = arith.constant 0 : i32
      %dma_wait3A_354 = arith.constant 0 : i32
      %dma_wait3A_355 = tpu.memref_slice %arg12[%dma_wait3A_353, %dma_wait3A_354] : memref<80x128xf32, #tpu.memory_space<vmem>> -> memref<40x128xf32, #tpu.memory_space<vmem>>
      %dma_wait3A_356 = arith.constant 0 : i32
      %dma_wait3A_357 = arith.constant 0 : i32
      %dma_wait3A_358 = tpu.memref_slice %arg13[%dma_wait3A_356, %dma_wait3A_357] : memref<10000x128xf32, #tpu.memory_space<vmem_shared>> -> memref<40x128xf32, #tpu.memory_space<vmem_shared>>
      %dma_wait3A_359 = arith.constant 0 : i32
      %dma_wait3A_360 = arith.constant 0 : i32
      %dma_wait3A_361 = tpu.memref_slice %arg13[%dma_wait3A_359, %dma_wait3A_360] : memref<10000x128xf32, #tpu.memory_space<vmem_shared>> -> memref<40x128xf32, #tpu.memory_space<vmem_shared>>
      %dma_wait3A_362 = arith.constant 0 : i32
      %dma_wait3A_363 = arith.constant 0 : i32
      %dma_wait3A_364 = tpu.memref_slice %arg12[%dma_wait3A_362, %dma_wait3A_363] : memref<80x128xf32, #tpu.memory_space<vmem>> -> memref<40x128xf32, #tpu.memory_space<vmem>>
      tpu.wait_dma2 semaphore(%arg20 : memref<!tpu.dma_semaphore, #tpu.memory_space<semaphore_mem>>) src(%dma_wait3A_364 : memref<40x128xf32, #tpu.memory_space<vmem>>) dst(%dma_wait3A_361 : memref<40x128xf32, #tpu.memory_space<vmem_shared>>)
      %dma_wait3A_365 = arith.constant 0 : i32
      %dma_wait3A_366 = arith.constant 0 : i32
      %dma_wait3A_367 = tpu.memref_slice %arg12[%dma_wait3A_365, %dma_wait3A_366] : memref<80x128xf32, #tpu.memory_space<vmem>> -> memref<40x128xf32, #tpu.memory_space<vmem>>
      %dma_wait3A_368 = arith.constant 0 : i32
      %dma_wait3A_369 = arith.constant 0 : i32
      %dma_wait3A_370 = tpu.memref_slice %arg13[%dma_wait3A_368, %dma_wait3A_369] : memref<10000x128xf32, #tpu.memory_space<vmem_shared>> -> memref<40x128xf32, #tpu.memory_space<vmem_shared>>
      %dma_wait3A_371 = arith.constant 0 : i32
      %dma_wait3A_372 = arith.constant 0 : i32
      %dma_wait3A_373 = tpu.memref_slice %arg13[%dma_wait3A_371, %dma_wait3A_372] : memref<10000x128xf32, #tpu.memory_space<vmem_shared>> -> memref<40x128xf32, #tpu.memory_space<vmem_shared>>
      %dma_wait3A_374 = arith.constant 0 : i32
      %dma_wait3A_375 = arith.constant 0 : i32
      %dma_wait3A_376 = tpu.memref_slice %arg12[%dma_wait3A_374, %dma_wait3A_375] : memref<80x128xf32, #tpu.memory_space<vmem>> -> memref<40x128xf32, #tpu.memory_space<vmem>>
      tpu.wait_dma2 semaphore(%arg20 : memref<!tpu.dma_semaphore, #tpu.memory_space<semaphore_mem>>) src(%dma_wait3A_376 : memref<40x128xf32, #tpu.memory_space<vmem>>) dst(%dma_wait3A_373 : memref<40x128xf32, #tpu.memory_space<vmem_shared>>)
      %dma_wait3A_377 = arith.constant 0 : i32
      %dma_wait3A_378 = arith.constant 0 : i32
      %dma_wait3A_379 = tpu.memref_slice %arg12[%dma_wait3A_377, %dma_wait3A_378] : memref<80x128xf32, #tpu.memory_space<vmem>> -> memref<40x128xf32, #tpu.memory_space<vmem>>
      %dma_wait3A_380 = arith.constant 0 : i32
      %dma_wait3A_381 = arith.constant 0 : i32
      %dma_wait3A_382 = tpu.memref_slice %arg13[%dma_wait3A_380, %dma_wait3A_381] : memref<10000x128xf32, #tpu.memory_space<vmem_shared>> -> memref<40x128xf32, #tpu.memory_space<vmem_shared>>
      %dma_wait3A_383 = arith.constant 0 : i32
      %dma_wait3A_384 = arith.constant 0 : i32
      %dma_wait3A_385 = tpu.memref_slice %arg13[%dma_wait3A_383, %dma_wait3A_384] : memref<10000x128xf32, #tpu.memory_space<vmem_shared>> -> memref<40x128xf32, #tpu.memory_space<vmem_shared>>
      %dma_wait3A_386 = arith.constant 0 : i32
      %dma_wait3A_387 = arith.constant 0 : i32
      %dma_wait3A_388 = tpu.memref_slice %arg12[%dma_wait3A_386, %dma_wait3A_387] : memref<80x128xf32, #tpu.memory_space<vmem>> -> memref<40x128xf32, #tpu.memory_space<vmem>>
      tpu.wait_dma2 semaphore(%arg20 : memref<!tpu.dma_semaphore, #tpu.memory_space<semaphore_mem>>) src(%dma_wait3A_388 : memref<40x128xf32, #tpu.memory_space<vmem>>) dst(%dma_wait3A_385 : memref<40x128xf32, #tpu.memory_space<vmem_shared>>)
    } else {
    }
    %barrier3A = arith.constant 0 : index
    tpu.barrier barrier_id(%barrier3A)
    %scan3A = arith.constant 0 : i32
    %scan3A_33 = arith.constant 0 : i32
    %scan3A_34 = arith.constant 41 : i32
    %scan3A_35 = arith.addi %scan3A_33, %scan3A_34 : i32
    %scan3A_36 = arith.constant 1 : i32
    scf.for %scan3A_89 = %scan3A_33 to %scan3A_35 step %scan3A_36  : i32 {
      %mul3A_90 = arith.constant 3 : i32
      %mul3A_91 = arith.muli %mul3A_90, %scan3A_89 : i32
      %add3A_92 = arith.constant 0 : i32
      %add3A_93 = arith.addi %mul3A_91, %add3A_92 : i32
      %dma_wait3A_94 = arith.constant 0 : i32
      %dma_wait3A_95 = arith.constant 0 : i32
      %dma_wait3A_96 = tpu.memref_slice %arg4[%dma_wait3A_94, %dma_wait3A_95] : memref<10000x128xf32, #tpu.memory_space<hbm>> -> memref<10000x128xf32, #tpu.memory_space<hbm>>
      tpu.wait_indirect_dma semaphore(%arg14 : memref<!tpu.dma_semaphore, #tpu.memory_space<semaphore_mem>>) src(%dma_wait3A_96 : memref<10000x128xf32, #tpu.memory_space<hbm>>) dst(%arg10 : memref<80x128xf32, #tpu.memory_space<vmem>>)
      %dma_start3A_97 = arith.constant 0 : i32
      %dma_start3A_98 = tpu.memref_slice %arg9[%add3A_93, %dma_start3A_97] : memref<125x80xi32, #tpu.memory_space<vmem>> -> memref<1x80xi32, #tpu.memory_space<vmem>>
      %dma_start3A_99 = tpu.memref_squeeze %dma_start3A_98 : memref<1x80xi32, #tpu.memory_space<vmem>> -> memref<80xi32, #tpu.memory_space<vmem>>
      %dma_start3A_100 = arith.constant 0 : i32
      %dma_start3A_101 = arith.constant 0 : i32
      %dma_start3A_102 = tpu.memref_slice %arg13[%dma_start3A_100, %dma_start3A_101] : memref<10000x128xf32, #tpu.memory_space<vmem_shared>> -> memref<10000x128xf32, #tpu.memory_space<vmem_shared>>
      tpu.enqueue_indirect_dma source(%arg10 : memref<80x128xf32, #tpu.memory_space<vmem>>) target(%dma_start3A_102 : memref<10000x128xf32, #tpu.memory_space<vmem_shared>>) offsets(%dma_start3A_99 : memref<80xi32, #tpu.memory_space<vmem>>) semaphore(%arg20 : memref<!tpu.dma_semaphore, #tpu.memory_space<semaphore_mem>>) {add = true}
      %ge3A = arith.constant 1 : i32
      %ge3A_103 = arith.cmpi sge, %add3A_93, %ge3A : i32
      %convert_element_type3A_104 = arith.extui %ge3A_103 : i1 to i32
      %cond3A_105 = arith.constant 0 : i32
      %cond3A_106 = arith.cmpi ne, %convert_element_type3A_104, %cond3A_105 : i32
      scf.if %cond3A_106 {
        %dma_wait3A_190 = arith.constant 0 : i32
        %dma_wait3A_191 = arith.constant 0 : i32
        %dma_wait3A_192 = tpu.memref_slice %arg9[%dma_wait3A_190, %dma_wait3A_191] : memref<125x80xi32, #tpu.memory_space<vmem>> -> memref<1x80xi32, #tpu.memory_space<vmem>>
        %dma_wait3A_193 = tpu.memref_squeeze %dma_wait3A_192 : memref<1x80xi32, #tpu.memory_space<vmem>> -> memref<80xi32, #tpu.memory_space<vmem>>
        %dma_wait3A_194 = arith.constant 0 : i32
        %dma_wait3A_195 = arith.constant 0 : i32
        %dma_wait3A_196 = tpu.memref_slice %arg13[%dma_wait3A_194, %dma_wait3A_195] : memref<10000x128xf32, #tpu.memory_space<vmem_shared>> -> memref<10000x128xf32, #tpu.memory_space<vmem_shared>>
        tpu.wait_indirect_dma semaphore(%arg22 : memref<!tpu.dma_semaphore, #tpu.memory_space<semaphore_mem>>) src(%arg12 : memref<80x128xf32, #tpu.memory_space<vmem>>) dst(%dma_wait3A_196 : memref<10000x128xf32, #tpu.memory_space<vmem_shared>>)
      } else {
      }
      %dma_wait3A_107 = arith.constant 0 : i32
      %dma_wait3A_108 = arith.constant 0 : i32
      %dma_wait3A_109 = tpu.memref_slice %arg2[%add3A, %dma_wait3A_107, %dma_wait3A_108] : memref<32x125x80xi32, #tpu.memory_space<hbm>> -> memref<1x1x80xi32, #tpu.memory_space<hbm>>
      %dma_wait3A_110 = tpu.memref_squeeze %dma_wait3A_109 : memref<1x1x80xi32, #tpu.memory_space<hbm>> -> memref<80xi32, #tpu.memory_space<hbm>>
      %dma_wait3A_111 = arith.constant 0 : i32
      %dma_wait3A_112 = tpu.memref_slice %arg2[%add3A, %dma_wait3A_107, %dma_wait3A_111] : memref<32x125x80xi32, #tpu.memory_space<hbm>> -> memref<1x1x80xi32, #tpu.memory_space<hbm>>
      %dma_wait3A_113 = tpu.memref_squeeze %dma_wait3A_112 : memref<1x1x80xi32, #tpu.memory_space<hbm>> -> memref<80xi32, #tpu.memory_space<hbm>>
      tpu.wait_dma2 semaphore(%arg19 : memref<!tpu.dma_semaphore, #tpu.memory_space<semaphore_mem>>) src(%dma_wait3A_113 : memref<80xi32, #tpu.memory_space<hbm>>) dst(%arg8 : memref<80xi32, #tpu.memory_space<vmem>>)
      %dma_start3A_114 = arith.constant 0 : i32
      %dma_start3A_115 = arith.constant 0 : i32
      %dma_start3A_116 = tpu.memref_slice %arg4[%dma_start3A_114, %dma_start3A_115] : memref<10000x128xf32, #tpu.memory_space<hbm>> -> memref<10000x128xf32, #tpu.memory_space<hbm>>
      tpu.enqueue_indirect_dma source(%dma_start3A_116 : memref<10000x128xf32, #tpu.memory_space<hbm>>) target(%arg12 : memref<80x128xf32, #tpu.memory_space<vmem>>) offsets(%arg8 : memref<80xi32, #tpu.memory_space<vmem>>) semaphore(%arg16 : memref<!tpu.dma_semaphore, #tpu.memory_space<semaphore_mem>>)
      %add3A_117 = arith.constant 3 : i32
      %add3A_118 = arith.addi %add3A_93, %add3A_117 : i32
      %lt3A_119 = arith.constant 125 : i32
      %lt3A_120 = arith.cmpi slt, %add3A_118, %lt3A_119 : i32
      %convert_element_type3A_121 = arith.extui %lt3A_120 : i1 to i32
      %cond3A_122 = arith.constant 0 : i32
      %cond3A_123 = arith.cmpi ne, %convert_element_type3A_121, %cond3A_122 : i32
      scf.if %cond3A_123 {
        %add3A_190 = arith.constant 3 : i32
        %add3A_191 = arith.addi %add3A_93, %add3A_190 : i32
        %dma_start3A_192 = arith.constant 0 : i32
        %dma_start3A_193 = tpu.memref_slice %arg2[%add3A, %add3A_191, %dma_start3A_192] : memref<32x125x80xi32, #tpu.memory_space<hbm>> -> memref<1x1x80xi32, #tpu.memory_space<hbm>>
        %dma_start3A_194 = tpu.memref_squeeze %dma_start3A_193 : memref<1x1x80xi32, #tpu.memory_space<hbm>> -> memref<80xi32, #tpu.memory_space<hbm>>
        %dma_start3A_195 = arith.constant 0 : i32
        %dma_start3A_196 = tpu.memref_slice %arg2[%add3A, %add3A_191, %dma_start3A_195] : memref<32x125x80xi32, #tpu.memory_space<hbm>> -> memref<1x1x80xi32, #tpu.memory_space<hbm>>
        %dma_start3A_197 = tpu.memref_squeeze %dma_start3A_196 : memref<1x1x80xi32, #tpu.memory_space<hbm>> -> memref<80xi32, #tpu.memory_space<hbm>>
        tpu.enqueue_dma source(%dma_start3A_197 : memref<80xi32, #tpu.memory_space<hbm>>) target(%arg6 : memref<80xi32, #tpu.memory_space<vmem>>) target_semaphore(%arg17 : memref<!tpu.dma_semaphore, #tpu.memory_space<semaphore_mem>>)
      } else {
      }
      %add3A_124 = arith.constant 1 : i32
      %add3A_125 = arith.addi %mul3A_91, %add3A_124 : i32
      %dma_wait3A_126 = arith.constant 0 : i32
      %dma_wait3A_127 = arith.constant 0 : i32
      %dma_wait3A_128 = tpu.memref_slice %arg4[%dma_wait3A_126, %dma_wait3A_127] : memref<10000x128xf32, #tpu.memory_space<hbm>> -> memref<10000x128xf32, #tpu.memory_space<hbm>>
      tpu.wait_indirect_dma semaphore(%arg15 : memref<!tpu.dma_semaphore, #tpu.memory_space<semaphore_mem>>) src(%dma_wait3A_128 : memref<10000x128xf32, #tpu.memory_space<hbm>>) dst(%arg11 : memref<80x128xf32, #tpu.memory_space<vmem>>)
      %dma_start3A_129 = arith.constant 0 : i32
      %dma_start3A_130 = tpu.memref_slice %arg9[%add3A_125, %dma_start3A_129] : memref<125x80xi32, #tpu.memory_space<vmem>> -> memref<1x80xi32, #tpu.memory_space<vmem>>
      %dma_start3A_131 = tpu.memref_squeeze %dma_start3A_130 : memref<1x80xi32, #tpu.memory_space<vmem>> -> memref<80xi32, #tpu.memory_space<vmem>>
      %dma_start3A_132 = arith.constant 0 : i32
      %dma_start3A_133 = arith.constant 0 : i32
      %dma_start3A_134 = tpu.memref_slice %arg13[%dma_start3A_132, %dma_start3A_133] : memref<10000x128xf32, #tpu.memory_space<vmem_shared>> -> memref<10000x128xf32, #tpu.memory_space<vmem_shared>>
      tpu.enqueue_indirect_dma source(%arg11 : memref<80x128xf32, #tpu.memory_space<vmem>>) target(%dma_start3A_134 : memref<10000x128xf32, #tpu.memory_space<vmem_shared>>) offsets(%dma_start3A_131 : memref<80xi32, #tpu.memory_space<vmem>>) semaphore(%arg21 : memref<!tpu.dma_semaphore, #tpu.memory_space<semaphore_mem>>) {add = true}
      %ge3A_135 = arith.constant 1 : i32
      %ge3A_136 = arith.cmpi sge, %add3A_125, %ge3A_135 : i32
      %convert_element_type3A_137 = arith.extui %ge3A_136 : i1 to i32
      %cond3A_138 = arith.constant 0 : i32
      %cond3A_139 = arith.cmpi ne, %convert_element_type3A_137, %cond3A_138 : i32
      scf.if %cond3A_139 {
        %dma_wait3A_190 = arith.constant 0 : i32
        %dma_wait3A_191 = arith.constant 0 : i32
        %dma_wait3A_192 = tpu.memref_slice %arg9[%dma_wait3A_190, %dma_wait3A_191] : memref<125x80xi32, #tpu.memory_space<vmem>> -> memref<1x80xi32, #tpu.memory_space<vmem>>
        %dma_wait3A_193 = tpu.memref_squeeze %dma_wait3A_192 : memref<1x80xi32, #tpu.memory_space<vmem>> -> memref<80xi32, #tpu.memory_space<vmem>>
        %dma_wait3A_194 = arith.constant 0 : i32
        %dma_wait3A_195 = arith.constant 0 : i32
        %dma_wait3A_196 = tpu.memref_slice %arg13[%dma_wait3A_194, %dma_wait3A_195] : memref<10000x128xf32, #tpu.memory_space<vmem_shared>> -> memref<10000x128xf32, #tpu.memory_space<vmem_shared>>
        tpu.wait_indirect_dma semaphore(%arg20 : memref<!tpu.dma_semaphore, #tpu.memory_space<semaphore_mem>>) src(%arg10 : memref<80x128xf32, #tpu.memory_space<vmem>>) dst(%dma_wait3A_196 : memref<10000x128xf32, #tpu.memory_space<vmem_shared>>)
      } else {
      }
      %dma_wait3A_140 = arith.constant 0 : i32
      %dma_wait3A_141 = arith.constant 0 : i32
      %dma_wait3A_142 = tpu.memref_slice %arg2[%add3A, %dma_wait3A_140, %dma_wait3A_141] : memref<32x125x80xi32, #tpu.memory_space<hbm>> -> memref<1x1x80xi32, #tpu.memory_space<hbm>>
      %dma_wait3A_143 = tpu.memref_squeeze %dma_wait3A_142 : memref<1x1x80xi32, #tpu.memory_space<hbm>> -> memref<80xi32, #tpu.memory_space<hbm>>
      %dma_wait3A_144 = arith.constant 0 : i32
      %dma_wait3A_145 = tpu.memref_slice %arg2[%add3A, %dma_wait3A_140, %dma_wait3A_144] : memref<32x125x80xi32, #tpu.memory_space<hbm>> -> memref<1x1x80xi32, #tpu.memory_space<hbm>>
      %dma_wait3A_146 = tpu.memref_squeeze %dma_wait3A_145 : memref<1x1x80xi32, #tpu.memory_space<hbm>> -> memref<80xi32, #tpu.memory_space<hbm>>
      tpu.wait_dma2 semaphore(%arg17 : memref<!tpu.dma_semaphore, #tpu.memory_space<semaphore_mem>>) src(%dma_wait3A_146 : memref<80xi32, #tpu.memory_space<hbm>>) dst(%arg6 : memref<80xi32, #tpu.memory_space<vmem>>)
      %dma_start3A_147 = arith.constant 0 : i32
      %dma_start3A_148 = arith.constant 0 : i32
      %dma_start3A_149 = tpu.memref_slice %arg4[%dma_start3A_147, %dma_start3A_148] : memref<10000x128xf32, #tpu.memory_space<hbm>> -> memref<10000x128xf32, #tpu.memory_space<hbm>>
      tpu.enqueue_indirect_dma source(%dma_start3A_149 : memref<10000x128xf32, #tpu.memory_space<hbm>>) target(%arg10 : memref<80x128xf32, #tpu.memory_space<vmem>>) offsets(%arg6 : memref<80xi32, #tpu.memory_space<vmem>>) semaphore(%arg14 : memref<!tpu.dma_semaphore, #tpu.memory_space<semaphore_mem>>)
      %add3A_150 = arith.constant 3 : i32
      %add3A_151 = arith.addi %add3A_125, %add3A_150 : i32
      %lt3A_152 = arith.constant 125 : i32
      %lt3A_153 = arith.cmpi slt, %add3A_151, %lt3A_152 : i32
      %convert_element_type3A_154 = arith.extui %lt3A_153 : i1 to i32
      %cond3A_155 = arith.constant 0 : i32
      %cond3A_156 = arith.cmpi ne, %convert_element_type3A_154, %cond3A_155 : i32
      scf.if %cond3A_156 {
        %add3A_190 = arith.constant 3 : i32
        %add3A_191 = arith.addi %add3A_125, %add3A_190 : i32
        %dma_start3A_192 = arith.constant 0 : i32
        %dma_start3A_193 = tpu.memref_slice %arg2[%add3A, %add3A_191, %dma_start3A_192] : memref<32x125x80xi32, #tpu.memory_space<hbm>> -> memref<1x1x80xi32, #tpu.memory_space<hbm>>
        %dma_start3A_194 = tpu.memref_squeeze %dma_start3A_193 : memref<1x1x80xi32, #tpu.memory_space<hbm>> -> memref<80xi32, #tpu.memory_space<hbm>>
        %dma_start3A_195 = arith.constant 0 : i32
        %dma_start3A_196 = tpu.memref_slice %arg2[%add3A, %add3A_191, %dma_start3A_195] : memref<32x125x80xi32, #tpu.memory_space<hbm>> -> memref<1x1x80xi32, #tpu.memory_space<hbm>>
        %dma_start3A_197 = tpu.memref_squeeze %dma_start3A_196 : memref<1x1x80xi32, #tpu.memory_space<hbm>> -> memref<80xi32, #tpu.memory_space<hbm>>
        tpu.enqueue_dma source(%dma_start3A_197 : memref<80xi32, #tpu.memory_space<hbm>>) target(%arg7 : memref<80xi32, #tpu.memory_space<vmem>>) target_semaphore(%arg18 : memref<!tpu.dma_semaphore, #tpu.memory_space<semaphore_mem>>)
      } else {
      }
      %add3A_157 = arith.constant 2 : i32
      %add3A_158 = arith.addi %mul3A_91, %add3A_157 : i32
      %dma_wait3A_159 = arith.constant 0 : i32
      %dma_wait3A_160 = arith.constant 0 : i32
      %dma_wait3A_161 = tpu.memref_slice %arg4[%dma_wait3A_159, %dma_wait3A_160] : memref<10000x128xf32, #tpu.memory_space<hbm>> -> memref<10000x128xf32, #tpu.memory_space<hbm>>
      tpu.wait_indirect_dma semaphore(%arg16 : memref<!tpu.dma_semaphore, #tpu.memory_space<semaphore_mem>>) src(%dma_wait3A_161 : memref<10000x128xf32, #tpu.memory_space<hbm>>) dst(%arg12 : memref<80x128xf32, #tpu.memory_space<vmem>>)
      %dma_start3A_162 = arith.constant 0 : i32
      %dma_start3A_163 = tpu.memref_slice %arg9[%add3A_158, %dma_start3A_162] : memref<125x80xi32, #tpu.memory_space<vmem>> -> memref<1x80xi32, #tpu.memory_space<vmem>>
      %dma_start3A_164 = tpu.memref_squeeze %dma_start3A_163 : memref<1x80xi32, #tpu.memory_space<vmem>> -> memref<80xi32, #tpu.memory_space<vmem>>
      %dma_start3A_165 = arith.constant 0 : i32
      %dma_start3A_166 = arith.constant 0 : i32
      %dma_start3A_167 = tpu.memref_slice %arg13[%dma_start3A_165, %dma_start3A_166] : memref<10000x128xf32, #tpu.memory_space<vmem_shared>> -> memref<10000x128xf32, #tpu.memory_space<vmem_shared>>
      tpu.enqueue_indirect_dma source(%arg12 : memref<80x128xf32, #tpu.memory_space<vmem>>) target(%dma_start3A_167 : memref<10000x128xf32, #tpu.memory_space<vmem_shared>>) offsets(%dma_start3A_164 : memref<80xi32, #tpu.memory_space<vmem>>) semaphore(%arg22 : memref<!tpu.dma_semaphore, #tpu.memory_space<semaphore_mem>>) {add = true}
      %ge3A_168 = arith.constant 1 : i32
      %ge3A_169 = arith.cmpi sge, %add3A_158, %ge3A_168 : i32
      %convert_element_type3A_170 = arith.extui %ge3A_169 : i1 to i32
      %cond3A_171 = arith.constant 0 : i32
      %cond3A_172 = arith.cmpi ne, %convert_element_type3A_170, %cond3A_171 : i32
      scf.if %cond3A_172 {
        %dma_wait3A_190 = arith.constant 0 : i32
        %dma_wait3A_191 = arith.constant 0 : i32
        %dma_wait3A_192 = tpu.memref_slice %arg9[%dma_wait3A_190, %dma_wait3A_191] : memref<125x80xi32, #tpu.memory_space<vmem>> -> memref<1x80xi32, #tpu.memory_space<vmem>>
        %dma_wait3A_193 = tpu.memref_squeeze %dma_wait3A_192 : memref<1x80xi32, #tpu.memory_space<vmem>> -> memref<80xi32, #tpu.memory_space<vmem>>
        %dma_wait3A_194 = arith.constant 0 : i32
        %dma_wait3A_195 = arith.constant 0 : i32
        %dma_wait3A_196 = tpu.memref_slice %arg13[%dma_wait3A_194, %dma_wait3A_195] : memref<10000x128xf32, #tpu.memory_space<vmem_shared>> -> memref<10000x128xf32, #tpu.memory_space<vmem_shared>>
        tpu.wait_indirect_dma semaphore(%arg21 : memref<!tpu.dma_semaphore, #tpu.memory_space<semaphore_mem>>) src(%arg11 : memref<80x128xf32, #tpu.memory_space<vmem>>) dst(%dma_wait3A_196 : memref<10000x128xf32, #tpu.memory_space<vmem_shared>>)
      } else {
      }
      %dma_wait3A_173 = arith.constant 0 : i32
      %dma_wait3A_174 = arith.constant 0 : i32
      %dma_wait3A_175 = tpu.memref_slice %arg2[%add3A, %dma_wait3A_173, %dma_wait3A_174] : memref<32x125x80xi32, #tpu.memory_space<hbm>> -> memref<1x1x80xi32, #tpu.memory_space<hbm>>
      %dma_wait3A_176 = tpu.memref_squeeze %dma_wait3A_175 : memref<1x1x80xi32, #tpu.memory_space<hbm>> -> memref<80xi32, #tpu.memory_space<hbm>>
      %dma_wait3A_177 = arith.constant 0 : i32
      %dma_wait3A_178 = tpu.memref_slice %arg2[%add3A, %dma_wait3A_173, %dma_wait3A_177] : memref<32x125x80xi32, #tpu.memory_space<hbm>> -> memref<1x1x80xi32, #tpu.memory_space<hbm>>
      %dma_wait3A_179 = tpu.memref_squeeze %dma_wait3A_178 : memref<1x1x80xi32, #tpu.memory_space<hbm>> -> memref<80xi32, #tpu.memory_space<hbm>>
      tpu.wait_dma2 semaphore(%arg18 : memref<!tpu.dma_semaphore, #tpu.memory_space<semaphore_mem>>) src(%dma_wait3A_179 : memref<80xi32, #tpu.memory_space<hbm>>) dst(%arg7 : memref<80xi32, #tpu.memory_space<vmem>>)
      %dma_start3A_180 = arith.constant 0 : i32
      %dma_start3A_181 = arith.constant 0 : i32
      %dma_start3A_182 = tpu.memref_slice %arg4[%dma_start3A_180, %dma_start3A_181] : memref<10000x128xf32, #tpu.memory_space<hbm>> -> memref<10000x128xf32, #tpu.memory_space<hbm>>
      tpu.enqueue_indirect_dma source(%dma_start3A_182 : memref<10000x128xf32, #tpu.memory_space<hbm>>) target(%arg11 : memref<80x128xf32, #tpu.memory_space<vmem>>) offsets(%arg7 : memref<80xi32, #tpu.memory_space<vmem>>) semaphore(%arg15 : memref<!tpu.dma_semaphore, #tpu.memory_space<semaphore_mem>>)
      %add3A_183 = arith.constant 3 : i32
      %add3A_184 = arith.addi %add3A_158, %add3A_183 : i32
      %lt3A_185 = arith.constant 125 : i32
      %lt3A_186 = arith.cmpi slt, %add3A_184, %lt3A_185 : i32
      %convert_element_type3A_187 = arith.extui %lt3A_186 : i1 to i32
      %cond3A_188 = arith.constant 0 : i32
      %cond3A_189 = arith.cmpi ne, %convert_element_type3A_187, %cond3A_188 : i32
      scf.if %cond3A_189 {
        %add3A_190 = arith.constant 3 : i32
        %add3A_191 = arith.addi %add3A_158, %add3A_190 : i32
        %dma_start3A_192 = arith.constant 0 : i32
        %dma_start3A_193 = tpu.memref_slice %arg2[%add3A, %add3A_191, %dma_start3A_192] : memref<32x125x80xi32, #tpu.memory_space<hbm>> -> memref<1x1x80xi32, #tpu.memory_space<hbm>>
        %dma_start3A_194 = tpu.memref_squeeze %dma_start3A_193 : memref<1x1x80xi32, #tpu.memory_space<hbm>> -> memref<80xi32, #tpu.memory_space<hbm>>
        %dma_start3A_195 = arith.constant 0 : i32
        %dma_start3A_196 = tpu.memref_slice %arg2[%add3A, %add3A_191, %dma_start3A_195] : memref<32x125x80xi32, #tpu.memory_space<hbm>> -> memref<1x1x80xi32, #tpu.memory_space<hbm>>
        %dma_start3A_197 = tpu.memref_squeeze %dma_start3A_196 : memref<1x1x80xi32, #tpu.memory_space<hbm>> -> memref<80xi32, #tpu.memory_space<hbm>>
        tpu.enqueue_dma source(%dma_start3A_197 : memref<80xi32, #tpu.memory_space<hbm>>) target(%arg8 : memref<80xi32, #tpu.memory_space<vmem>>) target_semaphore(%arg19 : memref<!tpu.dma_semaphore, #tpu.memory_space<semaphore_mem>>)
      } else {
      }
    }
    %scan3A_37 = arith.constant 41 : i32
    %dma_wait3A_38 = arith.constant 0 : i32
    %dma_wait3A_39 = arith.constant 0 : i32
    %dma_wait3A_40 = tpu.memref_slice %arg4[%dma_wait3A_38, %dma_wait3A_39] : memref<10000x128xf32, #tpu.memory_space<hbm>> -> memref<10000x128xf32, #tpu.memory_space<hbm>>
    tpu.wait_indirect_dma semaphore(%arg14 : memref<!tpu.dma_semaphore, #tpu.memory_space<semaphore_mem>>) src(%dma_wait3A_40 : memref<10000x128xf32, #tpu.memory_space<hbm>>) dst(%arg10 : memref<80x128xf32, #tpu.memory_space<vmem>>)
    %dma_start3A_41 = arith.constant 123 : i32
    %dma_start3A_42 = arith.constant 0 : i32
    %dma_start3A_43 = tpu.memref_slice %arg9[%dma_start3A_41, %dma_start3A_42] : memref<125x80xi32, #tpu.memory_space<vmem>> -> memref<1x80xi32, #tpu.memory_space<vmem>>
    %dma_start3A_44 = tpu.memref_squeeze %dma_start3A_43 : memref<1x80xi32, #tpu.memory_space<vmem>> -> memref<80xi32, #tpu.memory_space<vmem>>
    %dma_start3A_45 = arith.constant 0 : i32
    %dma_start3A_46 = arith.constant 0 : i32
    %dma_start3A_47 = tpu.memref_slice %arg13[%dma_start3A_45, %dma_start3A_46] : memref<10000x128xf32, #tpu.memory_space<vmem_shared>> -> memref<10000x128xf32, #tpu.memory_space<vmem_shared>>
    tpu.enqueue_indirect_dma source(%arg10 : memref<80x128xf32, #tpu.memory_space<vmem>>) target(%dma_start3A_47 : memref<10000x128xf32, #tpu.memory_space<vmem_shared>>) offsets(%dma_start3A_44 : memref<80xi32, #tpu.memory_space<vmem>>) semaphore(%arg20 : memref<!tpu.dma_semaphore, #tpu.memory_space<semaphore_mem>>) {add = true}
    %dma_wait3A_48 = arith.constant 0 : i32
    %dma_wait3A_49 = arith.constant 0 : i32
    %dma_wait3A_50 = tpu.memref_slice %arg4[%dma_wait3A_48, %dma_wait3A_49] : memref<10000x128xf32, #tpu.memory_space<hbm>> -> memref<10000x128xf32, #tpu.memory_space<hbm>>
    tpu.wait_indirect_dma semaphore(%arg15 : memref<!tpu.dma_semaphore, #tpu.memory_space<semaphore_mem>>) src(%dma_wait3A_50 : memref<10000x128xf32, #tpu.memory_space<hbm>>) dst(%arg11 : memref<80x128xf32, #tpu.memory_space<vmem>>)
    %dma_start3A_51 = arith.constant 124 : i32
    %dma_start3A_52 = arith.constant 0 : i32
    %dma_start3A_53 = tpu.memref_slice %arg9[%dma_start3A_51, %dma_start3A_52] : memref<125x80xi32, #tpu.memory_space<vmem>> -> memref<1x80xi32, #tpu.memory_space<vmem>>
    %dma_start3A_54 = tpu.memref_squeeze %dma_start3A_53 : memref<1x80xi32, #tpu.memory_space<vmem>> -> memref<80xi32, #tpu.memory_space<vmem>>
    %dma_start3A_55 = arith.constant 0 : i32
    %dma_start3A_56 = arith.constant 0 : i32
    %dma_start3A_57 = tpu.memref_slice %arg13[%dma_start3A_55, %dma_start3A_56] : memref<10000x128xf32, #tpu.memory_space<vmem_shared>> -> memref<10000x128xf32, #tpu.memory_space<vmem_shared>>
    tpu.enqueue_indirect_dma source(%arg11 : memref<80x128xf32, #tpu.memory_space<vmem>>) target(%dma_start3A_57 : memref<10000x128xf32, #tpu.memory_space<vmem_shared>>) offsets(%dma_start3A_54 : memref<80xi32, #tpu.memory_space<vmem>>) semaphore(%arg21 : memref<!tpu.dma_semaphore, #tpu.memory_space<semaphore_mem>>) {add = true}
    %dma_wait3A_58 = arith.constant 0 : i32
    %dma_wait3A_59 = arith.constant 0 : i32
    %dma_wait3A_60 = tpu.memref_slice %arg9[%dma_wait3A_58, %dma_wait3A_59] : memref<125x80xi32, #tpu.memory_space<vmem>> -> memref<1x80xi32, #tpu.memory_space<vmem>>
    %dma_wait3A_61 = tpu.memref_squeeze %dma_wait3A_60 : memref<1x80xi32, #tpu.memory_space<vmem>> -> memref<80xi32, #tpu.memory_space<vmem>>
    %dma_wait3A_62 = arith.constant 0 : i32
    %dma_wait3A_63 = arith.constant 0 : i32
    %dma_wait3A_64 = tpu.memref_slice %arg13[%dma_wait3A_62, %dma_wait3A_63] : memref<10000x128xf32, #tpu.memory_space<vmem_shared>> -> memref<10000x128xf32, #tpu.memory_space<vmem_shared>>
    tpu.wait_indirect_dma semaphore(%arg22 : memref<!tpu.dma_semaphore, #tpu.memory_space<semaphore_mem>>) src(%arg12 : memref<80x128xf32, #tpu.memory_space<vmem>>) dst(%dma_wait3A_64 : memref<10000x128xf32, #tpu.memory_space<vmem_shared>>)
    %dma_wait3A_65 = arith.constant 0 : i32
    %dma_wait3A_66 = arith.constant 0 : i32
    %dma_wait3A_67 = tpu.memref_slice %arg9[%dma_wait3A_65, %dma_wait3A_66] : memref<125x80xi32, #tpu.memory_space<vmem>> -> memref<1x80xi32, #tpu.memory_space<vmem>>
    %dma_wait3A_68 = tpu.memref_squeeze %dma_wait3A_67 : memref<1x80xi32, #tpu.memory_space<vmem>> -> memref<80xi32, #tpu.memory_space<vmem>>
    %dma_wait3A_69 = arith.constant 0 : i32
    %dma_wait3A_70 = arith.constant 0 : i32
    %dma_wait3A_71 = tpu.memref_slice %arg13[%dma_wait3A_69, %dma_wait3A_70] : memref<10000x128xf32, #tpu.memory_space<vmem_shared>> -> memref<10000x128xf32, #tpu.memory_space<vmem_shared>>
    tpu.wait_indirect_dma semaphore(%arg20 : memref<!tpu.dma_semaphore, #tpu.memory_space<semaphore_mem>>) src(%arg10 : memref<80x128xf32, #tpu.memory_space<vmem>>) dst(%dma_wait3A_71 : memref<10000x128xf32, #tpu.memory_space<vmem_shared>>)
    %dma_wait3A_72 = arith.constant 0 : i32
    %dma_wait3A_73 = arith.constant 0 : i32
    %dma_wait3A_74 = tpu.memref_slice %arg9[%dma_wait3A_72, %dma_wait3A_73] : memref<125x80xi32, #tpu.memory_space<vmem>> -> memref<1x80xi32, #tpu.memory_space<vmem>>
    %dma_wait3A_75 = tpu.memref_squeeze %dma_wait3A_74 : memref<1x80xi32, #tpu.memory_space<vmem>> -> memref<80xi32, #tpu.memory_space<vmem>>
    %dma_wait3A_76 = arith.constant 0 : i32
    %dma_wait3A_77 = arith.constant 0 : i32
    %dma_wait3A_78 = tpu.memref_slice %arg13[%dma_wait3A_76, %dma_wait3A_77] : memref<10000x128xf32, #tpu.memory_space<vmem_shared>> -> memref<10000x128xf32, #tpu.memory_space<vmem_shared>>
    tpu.wait_indirect_dma semaphore(%arg21 : memref<!tpu.dma_semaphore, #tpu.memory_space<semaphore_mem>>) src(%arg11 : memref<80x128xf32, #tpu.memory_space<vmem>>) dst(%dma_wait3A_78 : memref<10000x128xf32, #tpu.memory_space<vmem_shared>>)
    %barrier3A_79 = arith.constant 0 : index
    tpu.barrier barrier_id(%barrier3A_79)
    %lt3A_80 = arith.constant 15 : i32
    %lt3A_81 = arith.cmpi slt, %arg1, %lt3A_80 : i32
    %convert_element_type3A_82 = arith.extui %lt3A_81 : i1 to i32
    %cond3A_83 = arith.constant 0 : i32
    %cond3A_84 = arith.cmpi ne, %convert_element_type3A_82, %cond3A_83 : i32
    scf.if %cond3A_84 {
      %mul3A_89 = arith.constant 624 : i32
      %mul3A_90 = arith.muli %arg1, %mul3A_89 : i32
      %mul3A_91 = arith.constant 624 : i32
      %mul3A_92 = arith.muli %arg1, %mul3A_91 : i32
      "tpu.region"() ({
        %run_scoped3A_93 = tpu.sem_alloc : memref<!tpu.dma_semaphore, #tpu.memory_space<semaphore_mem>>
        %dma_start3A_94 = arith.constant 0 : i32
        %dma_start3A_95 = tpu.memref_slice %arg5[%arg0, %mul3A_92, %dma_start3A_94] : memref<2x10000x128xf32, #tpu.memory_space<hbm>> -> memref<1x624x128xf32, #tpu.memory_space<hbm>>
        %dma_start3A_96 = tpu.memref_squeeze %dma_start3A_95 : memref<1x624x128xf32, #tpu.memory_space<hbm>> -> memref<624x128xf32, #tpu.memory_space<hbm>>
        %dma_start3A_97 = arith.constant 0 : i32
        %dma_start3A_98 = tpu.memref_slice %arg13[%mul3A_90, %dma_start3A_97] : memref<10000x128xf32, #tpu.memory_space<vmem_shared>> -> memref<624x128xf32, #tpu.memory_space<vmem_shared>>
        tpu.enqueue_dma source(%dma_start3A_98 : memref<624x128xf32, #tpu.memory_space<vmem_shared>>) target(%dma_start3A_96 : memref<624x128xf32, #tpu.memory_space<hbm>>) target_semaphore(%run_scoped3A_93 : memref<!tpu.dma_semaphore, #tpu.memory_space<semaphore_mem>>)
        %dma_wait3A_99 = arith.constant 0 : i32
        %dma_wait3A_100 = tpu.memref_slice %arg5[%arg0, %mul3A_92, %dma_wait3A_99] : memref<2x10000x128xf32, #tpu.memory_space<hbm>> -> memref<1x624x128xf32, #tpu.memory_space<hbm>>
        %dma_wait3A_101 = tpu.memref_squeeze %dma_wait3A_100 : memref<1x624x128xf32, #tpu.memory_space<hbm>> -> memref<624x128xf32, #tpu.memory_space<hbm>>
        %dma_wait3A_102 = arith.constant 0 : i32
        %dma_wait3A_103 = tpu.memref_slice %arg13[%mul3A_90, %dma_wait3A_102] : memref<10000x128xf32, #tpu.memory_space<vmem_shared>> -> memref<624x128xf32, #tpu.memory_space<vmem_shared>>
        tpu.wait_dma2 semaphore(%run_scoped3A_93 : memref<!tpu.dma_semaphore, #tpu.memory_space<semaphore_mem>>) src(%dma_wait3A_103 : memref<624x128xf32, #tpu.memory_space<vmem_shared>>) dst(%dma_wait3A_101 : memref<624x128xf32, #tpu.memory_space<hbm>>)
        tpu.yield
      }) : () -> ()
    } else {
    }
    %eq3A = arith.constant 15 : i32
    %eq3A_85 = arith.cmpi eq, %arg1, %eq3A : i32
    %convert_element_type3A_86 = arith.extui %eq3A_85 : i1 to i32
    %cond3A_87 = arith.constant 0 : i32
    %cond3A_88 = arith.cmpi ne, %convert_element_type3A_86, %cond3A_87 : i32
    scf.if %cond3A_88 {
      "tpu.region"() ({
        %run_scoped3A_89 = tpu.sem_alloc : memref<!tpu.dma_semaphore, #tpu.memory_space<semaphore_mem>>
        %dma_start3A_90 = arith.constant 9360 : i32
        %dma_start3A_91 = arith.constant 0 : i32
        %dma_start3A_92 = tpu.memref_slice %arg5[%arg0, %dma_start3A_90, %dma_start3A_91] : memref<2x10000x128xf32, #tpu.memory_space<hbm>> -> memref<1x640x128xf32, #tpu.memory_space<hbm>>
        %dma_start3A_93 = tpu.memref_squeeze %dma_start3A_92 : memref<1x640x128xf32, #tpu.memory_space<hbm>> -> memref<640x128xf32, #tpu.memory_space<hbm>>
        %dma_start3A_94 = arith.constant 9360 : i32
        %dma_start3A_95 = arith.constant 0 : i32
        %dma_start3A_96 = tpu.memref_slice %arg13[%dma_start3A_94, %dma_start3A_95] : memref<10000x128xf32, #tpu.memory_space<vmem_shared>> -> memref<640x128xf32, #tpu.memory_space<vmem_shared>>
        tpu.enqueue_dma source(%dma_start3A_96 : memref<640x128xf32, #tpu.memory_space<vmem_shared>>) target(%dma_start3A_93 : memref<640x128xf32, #tpu.memory_space<hbm>>) target_semaphore(%run_scoped3A_89 : memref<!tpu.dma_semaphore, #tpu.memory_space<semaphore_mem>>)
        %dma_wait3A_97 = arith.constant 9360 : i32
        %dma_wait3A_98 = arith.constant 0 : i32
        %dma_wait3A_99 = tpu.memref_slice %arg5[%arg0, %dma_wait3A_97, %dma_wait3A_98] : memref<2x10000x128xf32, #tpu.memory_space<hbm>> -> memref<1x640x128xf32, #tpu.memory_space<hbm>>
        %dma_wait3A_100 = tpu.memref_squeeze %dma_wait3A_99 : memref<1x640x128xf32, #tpu.memory_space<hbm>> -> memref<640x128xf32, #tpu.memory_space<hbm>>
        %dma_wait3A_101 = arith.constant 9360 : i32
        %dma_wait3A_102 = arith.constant 0 : i32
        %dma_wait3A_103 = tpu.memref_slice %arg13[%dma_wait3A_101, %dma_wait3A_102] : memref<10000x128xf32, #tpu.memory_space<vmem_shared>> -> memref<640x128xf32, #tpu.memory_space<vmem_shared>>
        tpu.wait_dma2 semaphore(%run_scoped3A_89 : memref<!tpu.dma_semaphore, #tpu.memory_space<semaphore_mem>>) src(%dma_wait3A_103 : memref<640x128xf32, #tpu.memory_space<vmem_shared>>) dst(%dma_wait3A_100 : memref<640x128xf32, #tpu.memory_space<hbm>>)
        tpu.yield
      }) : () -> ()
    } else {
    }
    return
  }
}

module attributes {stable_mosaic.version = 14 : i64} {
  func.func @_tc_epilogue_body(%arg0: i32, %arg1: memref<1000x128xf32, #tpu.memory_space<vmem>>, %arg2: memref<1000x128xf32, #tpu.memory_space<vmem>>, %arg3: memref<1000x1xf32, #tpu.memory_space<vmem>>, %arg4: memref<1000x128xf32, #tpu.memory_space<vmem>>, %arg5: memref<1000x128xf32, #tpu.memory_space<vmem>>, %arg6: memref<128x128xf32, #tpu.memory_space<vmem>>, %arg7: memref<128x128xf32, #tpu.memory_space<vmem>>, %arg8: memref<1x128xf32, #tpu.memory_space<vmem>>, %arg9: memref<1000x128xf32, #tpu.memory_space<vmem>>) attributes {dimension_semantics = [#tpu.dimension_semantics<arbitrary>], iteration_bounds = array<i64: 10>, scalar_prefetch = 0 : i64, scratch_operands = 0 : i64, tpu.core_type = #tpu.core_type<tc>, window_params = [{transform_indices = @transform_0, window_bounds = array<i64: 1000, 128>}, {transform_indices = @transform_1, window_bounds = array<i64: 1000, 128>}, {transform_indices = @transform_2, window_bounds = array<i64: 1000, 1>}, {transform_indices = @transform_3, window_bounds = array<i64: 1000, 128>}, {transform_indices = @transform_4, window_bounds = array<i64: 1000, 128>}, {pipeline_mode = #tpu.pipeline_mode<synchronous>, transform_indices = @transform_5, window_bounds = array<i64: 128, 128>}, {pipeline_mode = #tpu.pipeline_mode<synchronous>, transform_indices = @transform_6, window_bounds = array<i64: 128, 128>}, {pipeline_mode = #tpu.pipeline_mode<synchronous>, transform_indices = @transform_7, window_bounds = array<i64: 1, 128>}, {transform_indices = @transform_8, window_bounds = array<i64: 1000, 128>}]} {
    %get3A = arith.constant 0 : index
    %get3A_0 = arith.constant 0 : index
    %get3A_1 = vector.load %arg2[%get3A, %get3A_0] : memref<1000x128xf32, #tpu.memory_space<vmem>>, vector<1000x128xf32>
    %get3A_2 = arith.constant 0 : index
    %get3A_3 = arith.constant 0 : index
    %get3A_4 = vector.load %arg7[%get3A_2, %get3A_3] : memref<128x128xf32, #tpu.memory_space<vmem>>, vector<128x128xf32>
    %dot_general3A = arith.constant dense<0.000000e+00> : vector<1000x128xf32>
    %dot_general3A_5 = tpu.matmul %get3A_1, %get3A_4, %dot_general3A {dimension_numbers = #tpu.dot_dimension_numbers<[1], [0], [0], [1], [0, 0, 1, 1], [], []>, transpose_lhs_hint = false} : vector<1000x128xf32>, vector<128x128xf32>, vector<1000x128xf32> -> vector<1000x128xf32>
    %get3A_6 = arith.constant 0 : index
    %get3A_7 = arith.constant 0 : index
    %get3A_8 = vector.load %arg8[%get3A_6, %get3A_7] : memref<1x128xf32, #tpu.memory_space<vmem>>, vector<1x128xf32>
    %add3A = vector.broadcast %get3A_8 : vector<1x128xf32> to vector<1000x128xf32>
    %add3A_9 = arith.addf %dot_general3A_5, %add3A : vector<1000x128xf32>
    %logistic3A = arith.negf %add3A_9 : vector<1000x128xf32>
    %logistic3A_10 = math.exp %logistic3A : vector<1000x128xf32>
    %logistic3A_11 = arith.constant 1.000000e+00 : f32
    %logistic3A_12 = vector.broadcast %logistic3A_11 : f32 to vector<1000x128xf32>
    %logistic3A_13 = arith.addf %logistic3A_12, %logistic3A_10 : vector<1000x128xf32>
    %logistic3A_14 = arith.divf %logistic3A_12, %logistic3A_13 : vector<1000x128xf32>
    %get3A_15 = arith.constant 0 : index
    %get3A_16 = arith.constant 0 : index
    %get3A_17 = vector.load %arg1[%get3A_15, %get3A_16] : memref<1000x128xf32, #tpu.memory_space<vmem>>, vector<1000x128xf32>
    %get3A_18 = arith.constant 0 : index
    %get3A_19 = arith.constant 0 : index
    %get3A_20 = vector.load %arg6[%get3A_18, %get3A_19] : memref<128x128xf32, #tpu.memory_space<vmem>>, vector<128x128xf32>
    %dot_general3A_21 = arith.constant dense<0.000000e+00> : vector<1000x128xf32>
    %dot_general3A_22 = tpu.matmul %get3A_17, %get3A_20, %dot_general3A_21 {dimension_numbers = #tpu.dot_dimension_numbers<[1], [0], [0], [1], [0, 0, 1, 1], [], []>, transpose_lhs_hint = false} : vector<1000x128xf32>, vector<128x128xf32>, vector<1000x128xf32> -> vector<1000x128xf32>
    %get3A_23 = arith.constant 0 : index
    %get3A_24 = arith.constant 0 : index
    %get3A_25 = vector.load %arg4[%get3A_23, %get3A_24] : memref<1000x128xf32, #tpu.memory_space<vmem>>, vector<1000x128xf32>
    %get3A_26 = arith.constant 0 : index
    %get3A_27 = arith.constant 0 : index
    %get3A_28 = vector.load %arg5[%get3A_26, %get3A_27] : memref<1000x128xf32, #tpu.memory_space<vmem>>, vector<1000x128xf32>
    %add3A_29 = arith.addf %get3A_25, %get3A_28 : vector<1000x128xf32>
    %get3A_30 = arith.constant 0 : index
    %get3A_31 = arith.constant 0 : index
    %get3A_32 = vector.load %arg3[%get3A_30, %get3A_31] : memref<1000x1xf32, #tpu.memory_space<vmem>>, vector<1000x1xf32>
    %mul3A = vector.broadcast %get3A_32 : vector<1000x1xf32> to vector<1000x128xf32>
    %mul3A_33 = arith.mulf %add3A_29, %mul3A : vector<1000x128xf32>
    %add3A_34 = arith.addf %mul3A_33, %dot_general3A_22 : vector<1000x128xf32>
    %mul3A_35 = arith.mulf %logistic3A_14, %add3A_34 : vector<1000x128xf32>
    %sub3A = arith.constant 1.000000e+00 : f32
    %sub3A_36 = vector.broadcast %sub3A : f32 to vector<1000x128xf32>
    %sub3A_37 = arith.subf %sub3A_36, %logistic3A_14 : vector<1000x128xf32>
    %mul3A_38 = arith.mulf %sub3A_37, %get3A_1 : vector<1000x128xf32>
    %add3A_39 = arith.addf %mul3A_35, %mul3A_38 : vector<1000x128xf32>
    %bitcast_convert_type3A = tpu.bitcast %add3A_39 : vector<1000x128xf32> -> vector<1000x128xi32>
    %shift_right_logical3A = arith.constant 13 : i32
    %shift_right_logical3A_40 = vector.broadcast %shift_right_logical3A : i32 to vector<1000x128xi32>
    %shift_right_logical3A_41 = arith.shrui %bitcast_convert_type3A, %shift_right_logical3A_40 : vector<1000x128xi32>
    %and3A = arith.constant 1 : i32
    %and3A_42 = vector.broadcast %and3A : i32 to vector<1000x128xi32>
    %and3A_43 = arith.andi %shift_right_logical3A_41, %and3A_42 : vector<1000x128xi32>
    %add3A_44 = arith.constant 4095 : i32
    %add3A_45 = vector.broadcast %add3A_44 : i32 to vector<1000x128xi32>
    %add3A_46 = arith.addi %bitcast_convert_type3A, %add3A_45 : vector<1000x128xi32>
    %add3A_47 = arith.addi %add3A_46, %and3A_43 : vector<1000x128xi32>
    %and3A_48 = arith.constant -8192 : i32
    %and3A_49 = vector.broadcast %and3A_48 : i32 to vector<1000x128xi32>
    %and3A_50 = arith.andi %add3A_47, %and3A_49 : vector<1000x128xi32>
    %bitcast_convert_type3A_51 = tpu.bitcast %and3A_50 : vector<1000x128xi32> -> vector<1000x128xf32>
    %swap3A = arith.constant 0 : index
    %swap3A_52 = arith.constant 0 : index
    %swap3A_53 = vector.load %arg9[%swap3A, %swap3A_52] : memref<1000x128xf32, #tpu.memory_space<vmem>>, vector<1000x128xf32>
    tpu.vector_store %arg9[%swap3A, %swap3A_52], %bitcast_convert_type3A_51 {strides = array<i32>} : memref<1000x128xf32, #tpu.memory_space<vmem>>, vector<1000x128xf32>,
    return
  }
  func.func @transform_0(%arg0: i32) -> (i32, i32) {
    %c0_i32 = arith.constant 0 : i32
    %c0_i32_0 = arith.constant 0 : i32
    return %arg0, %c0_i32 : i32, i32
  }
  func.func @transform_1(%arg0: i32) -> (i32, i32) {
    %c0_i32 = arith.constant 0 : i32
    %c0_i32_0 = arith.constant 0 : i32
    return %arg0, %c0_i32 : i32, i32
  }
  func.func @transform_2(%arg0: i32) -> (i32, i32) {
    %c0_i32 = arith.constant 0 : i32
    %c0_i32_0 = arith.constant 0 : i32
    return %arg0, %c0_i32 : i32, i32
  }
  func.func @transform_3(%arg0: i32) -> (i32, i32) {
    %c0_i32 = arith.constant 0 : i32
    %c0_i32_0 = arith.constant 0 : i32
    return %arg0, %c0_i32 : i32, i32
  }
  func.func @transform_4(%arg0: i32) -> (i32, i32) {
    %c0_i32 = arith.constant 0 : i32
    %c0_i32_0 = arith.constant 0 : i32
    return %arg0, %c0_i32 : i32, i32
  }
  func.func @transform_5(%arg0: i32) -> (i32, i32) {
    %c0_i32 = arith.constant 0 : i32
    %c0_i32_0 = arith.constant 0 : i32
    %c0_i32_1 = arith.constant 0 : i32
    return %c0_i32, %c0_i32_0 : i32, i32
  }
  func.func @transform_6(%arg0: i32) -> (i32, i32) {
    %c0_i32 = arith.constant 0 : i32
    %c0_i32_0 = arith.constant 0 : i32
    %c0_i32_1 = arith.constant 0 : i32
    return %c0_i32, %c0_i32_0 : i32, i32
  }
  func.func @transform_7(%arg0: i32) -> (i32, i32) {
    %c0_i32 = arith.constant 0 : i32
    %c0_i32_0 = arith.constant 0 : i32
    %c0_i32_1 = arith.constant 0 : i32
    return %c0_i32, %c0_i32_0 : i32, i32
  }
  func.func @transform_8(%arg0: i32) -> (i32, i32) {
    %c0_i32 = arith.constant 0 : i32
    %c0_i32_0 = arith.constant 0 : i32
    return %arg0, %c0_i32 : i32, i32
  }
}

</mosaic_0001>

<sc_bundles>
// kernel: kernel.4.cloned.1.call-start
scs
__scs_entry_jumppad:
0x0: {  	(pc) =	sbr.rel $0x88, $3  }
0x1: {  	(tag) =	ssettag $0x0;
	lr =	simm.s32 $0x1  }
0x2: {  	[smem:$0x3F9A] =	sst lr;
	_ =	strace $0xD0000000  }
0x3: {  	_ = 	snop  }
0x4: {  	_ = 	snop  }
0x5: {  	_ = 	snop  }
0x6: {  	_ = 	snop  }
0x7: {  	_ = 	snop  }
__scs_overlays_trampoline_lowered:
0x8: {  	[smem:$0x3FA9] =	sst s0  }
0x9: {  	[smem:$0x3FAA] =	sst s1  }
0xa: {  	[smem:$0x3FAB] =	sst s2  }
0xb: {  	[smem:$0x3FAC] =	sst s3  }
0xc: {  	[smem:$0x3FAD] =	sst s4  }
0xd: {  	[smem:$0x3FAE] =	sst s5  }
0xe: {  	[smem:$0x3FAF] =	sst s6  }
0xf: {  	[smem:$0x3FB0] =	sst s7  }
0x10: {  	[smem:$0x3FB1] =	sst s8  }
0x11: {  	[smem:$0x3FB2] =	sst s9;
	s0 =	simm.s32 @!p0 $0x0  }
0x12: {  	s1 =	sld [smem:$0x3F98];
	s0 =	simm.s32 @p0 $0x1  }
0x13: {  	[smem:$0x3FB3] =	sst s0;
	s0 =	simm.s32 @!p1 $0x0  }
0x14: {  	s2 =	sld [smem:$0x3F97];
	s0 =	simm.s32 @p1 $0x1  }
0x15: {  	[smem:$0x3FB4] =	sst s0;
	s0 =	simm.s32 @!p2 $0x0  }
0x16: {  	s3 =	sld [smem:$0x3FDB];
	s0 =	simm.s32 @p2 $0x1  }
0x17: {  	s4 =	simm.s32 $0x1BF5;
	[smem:$0x3FB6] =	sst s0  }
0x18: {  	s0 =	sld [smem:$0x3F99];
	_ =	swait.ge [sflag:s4], $0x0  }
0x19: {  	s7 =	sld [smem:$0x3F9A]  }
0x1a: {  	s8 =	sadd.s32 $0xFFFFE003, lr  }
0x1b: {  	s9 =	sadd.s32 $0xFFFFFEF7, lr;
	s5 =	simm.s32 $0xFFFFFFFF;
	p2 =	slt.u32 s8, $0xFFFFF086  }
0x1c: {  	p1 =	slt.u32 s9, $0xF7A;
	s5 =	simm.s32 @!p2 $0x0  }
0x1d: {  	s5 =	simm.s32 @p1 $0x1;
	p0 =	seq.s32 s7, s2  }
0x1e: {  	s7 =	smul.u32 @!p0 $0xF7A, s2;
	p2 =	seq.s32 @!p0 s5, $0x0  }
0x1f: {  	s9 =	smul.u32 $0xF7A, s1;
	s8 =	simm.s32 @!p0 $0x1BF5;
	p2 =	por !p2, p0  }
0x20: {  	[sflag:s8] =	ssyncset.s32 @!p0 $0xFFFFF086;
	s6 =	sadd.s32 @!p0 s3, s7;
	s7 =	simm.s32 @!p0 $0x108  }
0x21: {  	s3 =	sadd.s32 s3, s9;
	s6 =	sadd.s32 @!p0 $0x88, s6;
	s7 =	simm.s32 @p2 $0x1082  }
0x22: {  	[simem:s7], [sflag:s8] =	dma.local @!p0 [hbm:s6], $0xF7A  }
0x23: {  	s9 =	sor.u32 $0xD0000000, s2;
	s6 =	simm.s32 $0x108;
	_ =	swait.ge @!p0 [sflag:s8], $0x0  }
0x24: {  	s3 =	sadd.s32 $0x88, s3;
	s6 =	simm.s32 @!p1 $0x1082;
	[sflag:s4] =	ssyncset.s32 $0xFFFFF086  }
0x25: {  	[simem:s6], [sflag:s4] =	dma.local [hbm:s3], $0xF7A  }
0x26: {  	[smem:$0x3F9A] =	sst s1;
	(tag) =	ssettag s2;
	_ =	strace s9  }
0x27: {  	s1 =	sld [smem:$0x3FAA]  }
0x28: {  	s2 =	sld [smem:$0x3FAB]  }
0x29: {  	s4 =	sld [smem:$0x3FAD]  }
0x2a: {  	p0 =	seq.s32 s5, $0x0;
	s5 =	sld [smem:$0x3FAE]  }
0x2b: {  	s6 =	sld [smem:$0x3FAF]  }
0x2c: {  	s7 =	sld [smem:$0x3FB0]  }
0x2d: {  	s3 =	simm.s32 $0x108;
	s8 =	sld [smem:$0x3FB1]  }
0x2e: {  	s3 =	simm.s32 @!p0 $0x1082;
	s9 =	sld [smem:$0x3FB2]  }
0x2f: {  	lr =	sadd.s32 s0, s3;
	s0 =	sld [smem:$0x3FA9]  }
0x30: {  	s3 =	sld [smem:$0x3FAC]  }
0x31: {  	[smem:$0x3FB5] =	sst s10  }
0x32: {  	s10 =	sld [smem:$0x3FB3];
	_ =	sdelay $0x3  }
0x33: {  	p0 =	seq.s32 s10, $0x1;
	s10 =	sld [smem:$0x3FB5];
	_ =	sdelay $0x3  }
0x34: {  	[smem:$0x3FB5] =	sst s10  }
0x35: {  	s10 =	sld [smem:$0x3FB4];
	_ =	sdelay $0x3  }
0x36: {  	p1 =	seq.s32 s10, $0x1;
	s10 =	sld [smem:$0x3FB5];
	_ =	sdelay $0x3  }
0x37: {  	[smem:$0x3FB5] =	sst s10  }
0x38: {  	s10 =	sld [smem:$0x3FB6]  }
0x39: {  	_ = 	snop;
	(pc) =	sbr.ind lr, $3  }
0x3a: {  	_ = 	snop  }
0x3b: {  	_ = 	snop  }
0x3c: {  	p2 =	seq.s32 s10, $0x1;
	s10 =	sld [smem:$0x3FB5]  }
0x3d: {  	_ =	shalt  }
0x3e: {  	_ =	shalt  }
0x3f: {  	_ =	shalt  }
0x40: {  	_ =	shalt  }
0x41: {  	_ =	shalt  }
0x42: {  	_ =	shalt  }
0x43: {  	_ =	shalt  }
0x44: {  	_ =	shalt  }
0x45: {  	_ =	shalt  }
0x46: {  	_ =	shalt  }
0x47: {  	_ =	shalt  }
0x48: {  	_ =	shalt  }
0x49: {  	_ =	shalt  }
0x4a: {  	_ =	shalt  }
0x4b: {  	_ =	shalt  }
0x4c: {  	_ =	shalt  }
0x4d: {  	_ =	shalt  }
0x4e: {  	_ =	shalt  }
0x4f: {  	_ =	shalt  }
0x50: {  	_ =	shalt  }
0x51: {  	_ =	shalt  }
0x52: {  	_ =	shalt  }
0x53: {  	_ =	shalt  }
0x54: {  	_ =	shalt  }
0x55: {  	_ =	shalt  }
0x56: {  	_ =	shalt  }
0x57: {  	_ =	shalt  }
0x58: {  	_ =	shalt  }
0x59: {  	_ =	shalt  }
0x5a: {  	_ =	shalt  }
0x5b: {  	_ =	shalt  }
0x5c: {  	_ =	shalt  }
0x5d: {  	_ =	shalt  }
0x5e: {  	_ =	shalt  }
0x5f: {  	_ =	shalt  }
0x60: {  	_ =	shalt  }
0x61: {  	_ =	shalt  }
0x62: {  	_ =	shalt  }
0x63: {  	_ =	shalt  }
0x64: {  	_ =	shalt  }
0x65: {  	_ =	shalt  }
0x66: {  	_ =	shalt  }
0x67: {  	_ =	shalt  }
0x68: {  	_ =	shalt  }
0x69: {  	_ =	shalt  }
0x6a: {  	_ =	shalt  }
0x6b: {  	_ =	shalt  }
0x6c: {  	_ =	shalt  }
0x6d: {  	_ =	shalt  }
0x6e: {  	_ =	shalt  }
0x6f: {  	_ =	shalt  }
0x70: {  	_ =	shalt  }
0x71: {  	_ =	shalt  }
0x72: {  	_ =	shalt  }
0x73: {  	_ =	shalt  }
0x74: {  	_ =	shalt  }
0x75: {  	_ =	shalt  }
0x76: {  	_ =	shalt  }
0x77: {  	_ =	shalt  }
0x78: {  	_ =	shalt  }
0x79: {  	_ =	shalt  }
0x7a: {  	_ =	shalt  }
0x7b: {  	_ =	shalt  }
0x7c: {  	_ =	shalt  }
0x7d: {  	_ =	shalt  }
0x7e: {  	_ =	shalt  }
0x7f: {  	_ =	shalt  }
0x80: {  	_ =	shalt  }
0x81: {  	_ =	shalt  }
0x82: {  	_ =	shalt  }
0x83: {  	_ =	shalt  }
0x84: {  	_ =	shalt  }
0x85: {  	_ =	shalt  }
0x86: {  	_ =	shalt  }
0x87: {  	_ =	shalt  }
.Lfunc_end0:
.L_simem_size_0:
called_computation_lowered:
.L_overlay_start_0:
0x88: {  	s2 =	sld [smem:$0x3FD9]  }
0x89: {  	s3 =	sld [smem:$0x3FFE];
	_ =	sdelay $0x1  }
0x8a: {  	s1 =	srdreg.scid  }
0x8b: {  	s0 =	sand.u32 $0x1, s1  }
0x8c: {  	s17 =	sshll.u32 s0, $0xA;
	s2 =	sadd.s32 s3, s2  }
0x8d: {  	s2 =	sadd.s32 s2, s17  }
0x8e: {  	[smem:$0x3FC1] =	sst s2  }
0x8f: {  	_ = 	snop  }
0x90: {  	s2 =	sld [smem:$0x3FC9]  }
0x91: {  	s18 =	sld [smem:$0x3FD0];
	(tm) =	ssettm $0x1  }
0x92: {  	s4 =	sld [smem:$0x3FFB];
	_ =	sdelay $0x3  }
0x93: {  	_ =	strace s4  }
0x94: {  	s4 =	sld [smem:$0x3FFC];
	_ =	sdelay $0x3  }
0x95: {  	_ =	strace s4  }
0x96: {  	s4 =	sld [smem:$0x3FFD];
	_ =	sdelay $0x3  }
0x97: {  	_ =	strace s4  }
0x98: {  	_ =	strace $0x8FFFFFFF  }
0x99: {  	s19 =	sld [smem:$0x3FDB];
	_ =	sdelay $0x1  }
0x9a: {  	s5 =	simm.s32 $_scs_section_size  }
0x9b: {  	s6 =	simm.s32 $_size__tile_overlayer_lowered;
	s7 =	simm.s32 $_tile_overlayer_lowered  }
0x9c: {  	s22 =	simm.s32 $0x1BFF;
	s21 =	sshll.u32 s7, $0x1;
	s4 =	sadd.s32 s5, s19  }
0x9d: {  	s8 =	simm.s32 $0x0;
	s20 =	sshll.u32 s6, $0x1;
	s6 =	sadd.s32 s21, s4  }
0x9e: {  	[timem:s8], [sflag:s22] =	dma.local [hbm:s6], s20  }
0x9f: {  	_ =	swait.ge [sflag:s22], s20  }
0xa0: {  	s5 =	ssub.s32 $0x0, s20;
	[sflag:s22] =	ssyncset.done $0x0  }
0xa1: {  	[sflag:s22] =	ssyncadd.s32 s5;
	_ =	sdelay $0x1  }
0xa2: {  	s23 =	simm.s32 $0x1B8B  }
0xa3: {  	_ =	swait.ge [sflag:s23], $0x1  }
0xa4: {  	[sflag:s23] =	ssyncset.done $0x0  }
0xa5: {  	s25 =	simm.s32 $0x1B8E;
	s24 =	sld [smem:$0x3FFE];
	[sflag:s23] =	ssyncadd.s32 $0xFFFFFFFF  }
0xa6: {  	s26 =	simm.s32 $execute0_lowered;
	[smem:$0x3FD2] =	sst s25  }
0xa7: {  	s6 =	sshll.u32 s26, $0x1;
	_ =	strace $0x80000046;
	[dreg:$0x1] =	wrdreg $0xFFFFFFFF  }
0xa8: {  	s28 =	simm.s32 $_size_execute0_lowered;
	s4 =	sadd.s32 s4, s6;
	[dreg:$0x0] =	wrdreg $0x0  }
0xa9: {  	s6 =	sshll.u32 s28, $0x1;
	[dreg:$0x2] =	wrdreg s4  }
0xaa: {  	[dreg:$0x3] =	wrdreg s6  }
0xab: {  	[dreg:$0x4] =	wrdreg $0xC0  }
0xac: {  	_ =	task [dreg:s8], $0x5FFFF  }
0xad: {  	[dreg:$0x1] =	wrdreg $0xFFFFFFFF  }
0xae: {  	[dreg:$0x0] =	wrdreg $0x60  }
0xaf: {  	[dreg:$0x2] =	wrdreg s18  }
0xb0: {  	[dreg:$0x3] =	wrdreg s24  }
0xb1: {  	[dreg:$0x4] =	wrdreg s2  }
0xb2: {  	[dreg:$0x5] =	wrdreg $0xB9800  }
0xb3: {  	[dreg:$0x6] =	wrdreg $0x9  }
0xb4: {  	_ =	task.clear_ibuf [dreg:s8], $0x7FFFF;
	_ =	strace $0x90000046  }
0xb5: {  	s29 =	simm.s32 $0x9;
	_ =	strace $0x80000048  }
0xb6: {  	_ =	swait.ge [sflag:s29], $0x1  }
0xb7: {  	[sflag:s29] =	ssyncadd.s32 $0xFFFFFFFF  }
0xb8: {  	_ =	strace $0x90000048  }
0xb9: {  	_ =	sfence  }
0xba: {  	s30 =	sld [smem:$0x0];
	_ =	sdelay $0x2  }
0xbb: {  	s31 =	sshll.u32 s1, $0xD;
	s1 =	sshrl.u32 s1, $0x2  }
0xbc: {  	s3 =	sand.u32 $0x4000, s31;
	s1 =	sadd.s32 s1, s30  }
0xbd: {  	s0 =	sor.u32 s3, s0;
	s1 =	sshll.u32 s1, $0x11  }
0xbe: {  	s0 =	sor.u32 s1, s0  }
0xbf: {  	s0 =	sadd.s32 $0x8F2B, s0  }
0xc0: {  	[sflag:s0] =	ssyncadd.remote.s32 $0x1  }
0xc1: {  	_ =	sfence.sel $0xFFFF  }
0xc2: {  	[dreg:$0x0] =	wrdreg $0xFFFFFFFF;
	(pc) =	sbr.abs _section_cstart, $3  }
0xc3: {  	[dreg:$0x1] =	wrdreg $0xFFFFFFFF  }
0xc4: {  	_ =	task.clear_ibuf [dreg:s8], $0x2FFFF;
	_ =	strace $0x9FFFFFFF  }
0xc5: {  	(tm) =	ssettm $0x7FFFFFFF  }
tec
execute0_lowered:
.L_overlay_start_1:
0x0: {  	(tag) =	ssettag $0x1  }
0x1: {  	s1 =	rddreg [dreg:$0x0]  }
0x2: {  	s0 =	rddreg [dreg:$0x1]  }
0x3: {  	s2 =	rddreg [dreg:$0x2];
	s12 =	stileid.u32  }
0x4: {  	s4 =	srdreg.scid;
	s8 =	smul.u32 $0x7D000, s12  }
0x5: {  	s3 =	rddreg [dreg:$0x3];
	s4 =	sand.u32 $0x1, s4  }
0x6: {  	s7 =	sshll.u32 s12, $0xE;
	s6 =	sshll.u32 s4, $0x12;
	s13 =	sshrl.u32 s8, $0x2  }
0x7: {  	s5 =	simm.s32 $0x0;
	s6 =	sor.u32 s7, s6;
	s7 =	sadd.s32 s13, s3  }
0x8: {  	[smem:$0x7FF] =	sst s5;
	s15 =	sadd.s32 $0x1400, s7  }
0x9: {  	_ =	strace $0x80000047;
	s16 =	sadd.s32 $0x2800, s7;
	[dreg:$0x5] =	wrdreg s15  }
0xa: {  	s17 =	sadd.s32 $0x3C00, s7;
	[dreg:$0x6] =	wrdreg s16  }
0xb: {  	s23 =	smul.u32 $0x13800, s12;
	s18 =	sadd.s32 $0x5000, s7;
	[dreg:$0x7] =	wrdreg s17  }
0xc: {  	s29 =	smul.u32 $0x4E000, s12;
	s19 =	sadd.s32 $0x6400, s7;
	[dreg:$0x8] =	wrdreg s18  }
0xd: {  	p0 =	sgt.u32 s12, $0x9;
	s20 =	sadd.s32 $0x7800, s7;
	[dreg:$0x9] =	wrdreg s19  }
0xe: {  	p1 =	seq.s32 s12, $0xF;
	s21 =	sadd.s32 $0x8C00, s7;
	[dreg:$0xa] =	wrdreg s20  }
0xf: {  	s10 =	ssub.s32 $0x2, s4;
	s22 =	sadd.s32 $0xA000, s7;
	[dreg:$0xb] =	wrdreg s21  }
0x10: {  	s4 =	smul.u32 $0x138800, s4;
	s13 =	sadd.s32 $0xB400, s7;
	[dreg:$0xc] =	wrdreg s22  }
0x11: {  	s11 =	sshrl.u32 s10, $0x1;
	s24 =	sadd.s32 $0xC800, s7;
	[dreg:$0xd] =	wrdreg s13  }
0x12: {  	s10 =	ssub.s32 s10, s11;
	s25 =	sadd.s32 $0xDC00, s7;
	[dreg:$0xe] =	wrdreg s24  }
0x13: {  	s9 =	sshrl.u32 s6, $0x3;
	s11 =	smax.u32 s10, $0x1;
	[dreg:$0xf] =	wrdreg s25  }
0x14: {  	s26 =	sadd.s32 s23, s4;
	s12 =	sadd.s32 $0xF000, s7;
	[dreg:$0x13] =	wrdreg s11  }
0x15: {  	s14 =	sadd.s32 s9, s0;
	s23 =	sadd.s32 $0x1B800, s7;
	[dreg:$0x16] =	wrdreg s12  }
0x16: {  	s8 =	sadd.s32 $0x1600, s14;
	[smem:$0x7F9] =	sst s23  }
0x17: {  	s13 =	sadd.s32 $0x10400, s7;
	[dreg:$0x10] =	wrdreg s8  }
0x18: {  	s28 =	simm.s32 $0x9180;
	s14 =	sadd.s32 $0x11800, s7;
	[dreg:$0x17] =	wrdreg s13  }
0x19: {  	s30 =	simm.s32 $0xA;
	s15 =	sadd.s32 $0x12C00, s7;
	[dreg:$0x18] =	wrdreg s14  }
0x1a: {  	s31 =	simm.s32 $0x50;
	s16 =	sadd.s32 $0x14000, s7;
	[dreg:$0x19] =	wrdreg s15  }
0x1b: {  	s4 =	sshrl.u32 s4, $0x3;
	s17 =	sadd.s32 $0x15400, s7;
	[dreg:$0x1a] =	wrdreg s16  }
0x1c: {  	s0 =	sadd.s32 $0x11600, s0;
	s18 =	sadd.s32 $0x16800, s7;
	[dreg:$0x1b] =	wrdreg s17  }
0x1d: {  	s10 =	simm.s32 $0x5;
	s19 =	sadd.s32 $0x17C00, s7;
	[dreg:$0x1c] =	wrdreg s18  }
0x1e: {  	s20 =	sadd.s32 s1, s9;
	s21 =	sadd.s32 $0x19000, s7;
	[dreg:$0x1d] =	wrdreg s19  }
0x1f: {  	s9 =	sshrl.u32 s29, $0x2;
	s22 =	sadd.s32 $0x1A400, s7;
	[dreg:$0x1e] =	wrdreg s21  }
0x20: {  	s24 =	sadd.s32 $0x1CC00, s7;
	s25 =	sadd.s32 $0x1E000, s7;
	[dreg:$0x1f] =	wrdreg s22  }
0x21: {  	s11 =	simm.s32 $0x6980;
	s12 =	simm.s32 $0x7;
	[smem:$0x7FA] =	sst s24  }
0x22: {  	s23 =	simm.s32 $0x9;
	s8 =	sshrl.u32 s26, $0x3;
	[smem:$0x7FB] =	sst s25  }
0x23: {  	s26 =	sadd.s32 $0x10, s20;
	s29 =	sadd.s32 $0x20, s20;
	s17 =	sadd.s32 $0x30, s20  }
0x24: {  	s18 =	sadd.s32 $0x40, s20;
	s16 =	simm.s32 $0x180;
	s13 =	simm.s32 $0x1  }
0x25: {  	s14 =	simm.s32 $0x6;
	s19 =	simm.s32 $0x4;
	s21 =	simm.s32 $0x3  }
0x26: {  	s22 =	simm.s32 $0x8;
	s24 =	simm.s32 $0x0;
	s8 =	sadd.s32 s0, s8  }
0x27: {  	s0 =	sadd.s32 s0, s4;
	s4 =	sadd.s32 s9, s3;
	[smem:$0x7FC] =	sst s26  }
.Ltmp0:
0x28: {  	[smem:$0x7FD] =	sst s29;
	s0 =	sadd.s32 $0x24900, s0;
	(pc) =	sbr.rel .LBB2_1-.Ltmp0, $4  }
0x29: {  	s26 =	sadd.s32 $0x50, s20;
	[dreg:$0x12] =	wrdreg s0;
	s0 =	sadd.s32 $0x124800, s3  }
0x2a: {  	s9 =	simm.s32 $0x100;
	[dreg:$0x11] =	wrdreg s8;
	s0 =	sshrl.u32 @p1 s0, $0x3  }
0x2b: {  	s8 =	simm.s32 $0x80;
	[dreg:$0x14] =	wrdreg s0;
	s0 =	sshrl.u32 @!p1 s4, $0x3  }
0x2c: {  	v0 =	vimm.f32 $0.0e+00;
	s4 =	simm.s32 $0x2;
	[dreg:$0x15] =	wrdreg s0;
	s0 =	simm.s32 $0x4180  }
.LBB2_10:
0x2d: {  	_ =	swait.ge [sflag:s13], $0x2800  }
0x2e: {  	[sflag:s13] =	ssyncset.done $0x0  }
0x2f: {  	s15 =	simm.s32 $0x3F00;
	[sflag:s13] =	ssyncadd.s32 $0xFFFFD800  }
0x30: {  	[spmem:s3] =	stream.indirect.scatter.add.f32 [tilespmem:s0], [sflag:$0x7], $0x80, s15, s31, $0xb8;
	[tilespmem:$0x1F200] =	vst v63  }
0x31: {  	_ =	swait.ge [sflag:s4], $0x2800  }
0x32: {  	[sflag:s4] =	ssyncset.done $0x0  }
0x33: {  	s25 =	simm.s32 $0x3F80;
	[sflag:s4] =	ssyncadd.s32 $0xFFFFD800  }
0x34: {  	[spmem:s3] =	stream.indirect.scatter.add.f32 [tilespmem:s11], [sflag:$0x8], $0x80, s25, s31, $0xb8;
	[tilespmem:$0x1F200] =	vst v63  }
0x35: {  	_ =	swait.ge [sflag:s23], $0x2800  }
0x36: {  	[sflag:s23] =	ssyncset.done $0x0  }
0x37: {  	[sflag:s23] =	ssyncadd.s32 $0xFFFFD800  }
0x38: {  	_ =	swait.ge [sflag:s12], $0x2800  }
0x39: {  	[sflag:s12] =	ssyncset.done $0x0  }
0x3a: {  	[sflag:s12] =	ssyncadd.s32 $0xFFFFD800  }
0x3b: {  	_ =	swait.ge [sflag:s22], $0x2800  }
0x3c: {  	[sflag:s22] =	ssyncset.done $0x0  }
0x3d: {  	[sflag:s22] =	ssyncadd.s32 $0xFFFFD800  }
0x3e: {  	[bflag:$0x0] =	sbarrier.arrive $0xFFFF  }
0x3f: {  	s16 =	rddreg [dreg:$0x12]  }
0x40: {  	s15 =	simm.s32 @p1 $0x1FCA;
	s25 =	rddreg [dreg:$0x14]  }
0x41: {  	[hbm:s16], [sflag:s15] =	dma.local @p1 [spmem:s25], $0x2800  }
0x42: {  	s15 =	simm.s32 @p1 $0xA  }
0x43: {  	s16 =	stileid.u32;
	_ =	swait.ge @p1 [sflag:s15], $0x2800  }
0x44: {  	s16 =	sshll.u32 @!p1 s16, $0x6;
	[sflag:s15] =	ssyncset.done @p1 $0x0;
	s25 =	rddreg [dreg:$0x15]  }
0x45: {  	[sflag:s15] =	ssyncadd.s32 @p1 $0xFFFFD800;
	s15 =	sor.u32 @!p1 $0x1C0A, s16;
	s16 =	rddreg [dreg:$0x11]  }
0x46: {  	[hbm:s16], [sflag:s15] =	dma.local @!p1 [spmem:s25], $0x2700  }
0x47: {  	s15 =	simm.s32 @!p1 $0xA  }
0x48: {  	_ =	swait.ge @!p1 [sflag:s15], $0x2700  }
0x49: {  	s24 =	sadd.s32 $0x1, s24;
	s29 =	rddreg [dreg:$0x13]  }
0x4a: {  	p2 =	sne.s32 s24, s29  }
.Ltmp1:
0x4b: {  	_ = 	snop;
	(pc) =	sbr.rel @!p2 .LBB2_11-.Ltmp1, $3  }
0x4c: {  	_ =	sdelay $0x1  }
0x4d: {  	[sflag:s15] =	ssyncset.done @!p1 $0x0  }
0x4e: {  	s16 =	simm.s32 $0x180;
	[sflag:s15] =	ssyncadd.s32 @!p1 $0xFFFFD900  }
.LBB2_1:
.Ltmp2:
0x4f: {  	(pc) =	sbr.rel @p0 .LBB2_5-.Ltmp2, $1  }
0x50: {  	_ =	sdelay $0x3  }
0x51: {  	s15 =	sshra.s32 s5, $0x2;
	s25 =	sadd.s32 $0x200, s5  }
.LBB2_3:
0x52: {  	p2 =	sne.s32 s25, $0x4E00;
	[tilespmem:s15+$0x91F0] =	vst v0  }
0x53: {  	[tilespmem:s15+$0x9180] =	vst v0  }
0x54: {  	[tilespmem:s15+$0x9190] =	vst v0  }
.Ltmp3:
0x55: {  	[tilespmem:s15+$0x91A0] =	vst v0;
	(pc) =	sbr.rel @p2 .LBB2_3-.Ltmp3, $4  }
0x56: {  	[tilespmem:s15+$0x91B0] =	vst v0  }
0x57: {  	[tilespmem:s15+$0x91C0] =	vst v0  }
0x58: {  	[tilespmem:s15+$0x91D0] =	vst v0  }
0x59: {  	[tilespmem:s15+$0x91E0] =	vst v0;
	s15 =	sshra.s32 s25, $0x2;
	s25 =	sadd.s32 $0x200, s25  }
0x5a: {  	[tilespmem:s15+$0x91F0] =	vst v0  }
0x5b: {  	[tilespmem:s15+$0x9180] =	vst v0  }
0x5c: {  	[tilespmem:s15+$0x9190] =	vst v0  }
0x5d: {  	[tilespmem:s15+$0x91A0] =	vst v0  }
0x5e: {  	[tilespmem:s15+$0x91B0] =	vst v0  }
0x5f: {  	[tilespmem:s15+$0x91C0] =	vst v0  }
0x60: {  	[tilespmem:s15+$0x91D0] =	vst v0  }
0x61: {  	[tilespmem:s15+$0x91E0] =	vst v0;
	s25 =	rddreg [dreg:$0x5]  }
0x62: {  	[spmem:s7] =	stream.linear.scatter [tilespmem:s28], [sflag:$0x7], $0x1400, $0x38;
	[tilespmem:$0x1F200] =	vst v63  }
0x63: {  	s29 =	rddreg [dreg:$0x6]  }
0x64: {  	[spmem:s25] =	stream.linear.scatter [tilespmem:s28], [sflag:$0x7], $0x1400, $0x38;
	[tilespmem:$0x1F200] =	vst v63  }
0x65: {  	s25 =	rddreg [dreg:$0x7]  }
0x66: {  	[spmem:s29] =	stream.linear.scatter [tilespmem:s28], [sflag:$0x7], $0x1400, $0x38;
	[tilespmem:$0x1F200] =	vst v63  }
0x67: {  	s29 =	rddreg [dreg:$0x8]  }
0x68: {  	[spmem:s25] =	stream.linear.scatter [tilespmem:s28], [sflag:$0x7], $0x1400, $0x38;
	[tilespmem:$0x1F200] =	vst v63  }
0x69: {  	s25 =	rddreg [dreg:$0x9]  }
0x6a: {  	[spmem:s29] =	stream.linear.scatter [tilespmem:s28], [sflag:$0x7], $0x1400, $0x38;
	[tilespmem:$0x1F200] =	vst v63  }
0x6b: {  	s29 =	rddreg [dreg:$0xa]  }
0x6c: {  	[spmem:s25] =	stream.linear.scatter [tilespmem:s28], [sflag:$0x7], $0x1400, $0x38;
	[tilespmem:$0x1F200] =	vst v63  }
0x6d: {  	s25 =	rddreg [dreg:$0xb]  }
0x6e: {  	[spmem:s29] =	stream.linear.scatter [tilespmem:s28], [sflag:$0x7], $0x1400, $0x38;
	[tilespmem:$0x1F200] =	vst v63  }
0x6f: {  	s29 =	rddreg [dreg:$0xc]  }
0x70: {  	[spmem:s25] =	stream.linear.scatter [tilespmem:s28], [sflag:$0x7], $0x1400, $0x38;
	[tilespmem:$0x1F200] =	vst v63  }
0x71: {  	s25 =	rddreg [dreg:$0xd]  }
0x72: {  	[spmem:s29] =	stream.linear.scatter [tilespmem:s28], [sflag:$0x7], $0x1400, $0x38;
	[tilespmem:$0x1F200] =	vst v63  }
0x73: {  	s29 =	rddreg [dreg:$0xe]  }
0x74: {  	[spmem:s25] =	stream.linear.scatter [tilespmem:s28], [sflag:$0x7], $0x1400, $0x38;
	[tilespmem:$0x1F200] =	vst v63  }
0x75: {  	s25 =	rddreg [dreg:$0xf]  }
0x76: {  	[spmem:s29] =	stream.linear.scatter [tilespmem:s28], [sflag:$0x7], $0x1400, $0x38;
	[tilespmem:$0x1F200] =	vst v63  }
0x77: {  	s29 =	rddreg [dreg:$0x16]  }
0x78: {  	[spmem:s25] =	stream.linear.scatter [tilespmem:s28], [sflag:$0x7], $0x1400, $0x38;
	[tilespmem:$0x1F200] =	vst v63  }
0x79: {  	s25 =	rddreg [dreg:$0x17]  }
0x7a: {  	[spmem:s29] =	stream.linear.scatter [tilespmem:s28], [sflag:$0x7], $0x1400, $0x38;
	[tilespmem:$0x1F200] =	vst v63  }
0x7b: {  	s29 =	rddreg [dreg:$0x18]  }
0x7c: {  	[spmem:s25] =	stream.linear.scatter [tilespmem:s28], [sflag:$0x7], $0x1400, $0x38;
	[tilespmem:$0x1F200] =	vst v63  }
0x7d: {  	s25 =	rddreg [dreg:$0x19]  }
0x7e: {  	[spmem:s29] =	stream.linear.scatter [tilespmem:s28], [sflag:$0x7], $0x1400, $0x38;
	[tilespmem:$0x1F200] =	vst v63  }
0x7f: {  	s29 =	rddreg [dreg:$0x1a]  }
0x80: {  	[spmem:s25] =	stream.linear.scatter [tilespmem:s28], [sflag:$0x7], $0x1400, $0x38;
	[tilespmem:$0x1F200] =	vst v63  }
0x81: {  	s25 =	rddreg [dreg:$0x1b]  }
0x82: {  	[spmem:s29] =	stream.linear.scatter [tilespmem:s28], [sflag:$0x7], $0x1400, $0x38;
	[tilespmem:$0x1F200] =	vst v63  }
0x83: {  	s29 =	rddreg [dreg:$0x1c]  }
0x84: {  	[spmem:s25] =	stream.linear.scatter [tilespmem:s28], [sflag:$0x7], $0x1400, $0x38;
	[tilespmem:$0x1F200] =	vst v63  }
0x85: {  	s25 =	rddreg [dreg:$0x1d]  }
0x86: {  	[spmem:s29] =	stream.linear.scatter [tilespmem:s28], [sflag:$0x7], $0x1400, $0x38;
	[tilespmem:$0x1F200] =	vst v63  }
0x87: {  	s29 =	rddreg [dreg:$0x1e]  }
0x88: {  	[spmem:s25] =	stream.linear.scatter [tilespmem:s28], [sflag:$0x7], $0x1400, $0x38;
	[tilespmem:$0x1F200] =	vst v63  }
0x89: {  	s25 =	rddreg [dreg:$0x1f]  }
0x8a: {  	[spmem:s29] =	stream.linear.scatter [tilespmem:s28], [sflag:$0x7], $0x1400, $0x38;
	[tilespmem:$0x1F200] =	vst v63  }
0x8b: {  	s29 =	sld [smem:$0x7F9]  }
0x8c: {  	[spmem:s25] =	stream.linear.scatter [tilespmem:s28], [sflag:$0x7], $0x1400, $0x38;
	[tilespmem:$0x1F200] =	vst v63  }
0x8d: {  	s25 =	sld [smem:$0x7FA]  }
0x8e: {  	[spmem:s29] =	stream.linear.scatter [tilespmem:s28], [sflag:$0x7], $0x1400, $0x38;
	[tilespmem:$0x1F200] =	vst v63  }
0x8f: {  	s29 =	sld [smem:$0x7FB]  }
0x90: {  	[spmem:s25] =	stream.linear.scatter [tilespmem:s28], [sflag:$0x7], $0x1400, $0x38;
	[tilespmem:$0x1F200] =	vst v63  }
0x91: {  	_ = 	snop  }
0x92: {  	[spmem:s29] =	stream.linear.scatter [tilespmem:s28], [sflag:$0x7], $0x1400, $0x38;
	[tilespmem:$0x1F200] =	vst v63  }
.LBB2_5:
0x93: {  	s15 =	rddreg [dreg:$0x10]  }
0x94: {  	[tilespmem:s16], [sflag:$0xA] =	stream.linear.gather [hbm4b:s15+s5], $0x3E80, $0x38;
	[tilespmem:$0x1F200] =	vst v63  }
0x95: {  	_ =	swait.ge [sflag:s30], $0x3E80  }
0x96: {  	[sflag:s30] =	ssyncset.done $0x0  }
0x97: {  	[sflag:s30] =	ssyncadd.s32 $0xFFFFC180  }
0x98: {  	[tilespmem:s5], [sflag:$0xA] =	stream.linear.gather [hbm4b:s20+s5], $0x80, $0x38;
	[tilespmem:$0x1F200] =	vst v63  }
0x99: {  	_ =	swait.ge [sflag:s30], $0x80  }
0x9a: {  	[sflag:s30] =	ssyncset.done $0x0  }
0x9b: {  	s25 =	sld [smem:$0x7FC];
	[sflag:s30] =	ssyncadd.s32 $0xFFFFFF80  }
0x9c: {  	[tilespmem:s0], [sflag:$0x1] =	stream.indirect.gather [hbm4b:s2+s31], $0x80, s5, s31, $0xb8;
	[tilespmem:$0x1F200] =	vst v63  }
0x9d: {  	s29 =	sld [smem:$0x7FD]  }
0x9e: {  	[tilespmem:s8], [sflag:$0x5] =	stream.linear.gather [hbm4b:s25+s5], $0x80, $0x38;
	[tilespmem:$0x1F200] =	vst v63  }
0x9f: {  	_ = 	snop  }
0xa0: {  	[tilespmem:s9], [sflag:$0x6] =	stream.linear.gather [hbm4b:s29+s5], $0x80, $0x38;
	[tilespmem:$0x1F200] =	vst v63  }
.Ltmp4:
0xa1: {  	_ = 	snop;
	(pc) =	sbr.rel @p0 .LBB2_7-.Ltmp4, $4  }
0xa2: {  	_ =	swait.ge [sflag:s10], $0x80  }
0xa3: {  	[sflag:s10] =	ssyncset.done $0x0  }
0xa4: {  	[sflag:s10] =	ssyncadd.s32 $0xFFFFFF80  }
0xa5: {  	[tilespmem:s11], [sflag:$0x2] =	stream.indirect.gather [hbm4b:s2+s31], $0x80, s8, s31, $0xb8;
	[tilespmem:$0x1F200] =	vst v63  }
0xa6: {  	_ =	swait.ge [sflag:s12], $0x1400  }
0xa7: {  	[sflag:s12] =	ssyncset.done $0x0  }
0xa8: {  	[sflag:s12] =	ssyncadd.s32 $0xFFFFEC00  }
0xa9: {  	_ =	swait.ge [sflag:s12], $0x1400  }
0xaa: {  	[sflag:s12] =	ssyncset.done $0x0  }
0xab: {  	[sflag:s12] =	ssyncadd.s32 $0xFFFFEC00  }
0xac: {  	_ =	swait.ge [sflag:s12], $0x1400  }
0xad: {  	[sflag:s12] =	ssyncset.done $0x0  }
0xae: {  	[sflag:s12] =	ssyncadd.s32 $0xFFFFEC00  }
0xaf: {  	_ =	swait.ge [sflag:s12], $0x1400  }
0xb0: {  	[sflag:s12] =	ssyncset.done $0x0  }
0xb1: {  	[sflag:s12] =	ssyncadd.s32 $0xFFFFEC00  }
0xb2: {  	_ =	swait.ge [sflag:s12], $0x1400  }
0xb3: {  	[sflag:s12] =	ssyncset.done $0x0  }
0xb4: {  	[sflag:s12] =	ssyncadd.s32 $0xFFFFEC00  }
0xb5: {  	_ =	swait.ge [sflag:s12], $0x1400  }
0xb6: {  	[sflag:s12] =	ssyncset.done $0x0  }
0xb7: {  	[sflag:s12] =	ssyncadd.s32 $0xFFFFEC00  }
0xb8: {  	_ =	swait.ge [sflag:s12], $0x1400  }
0xb9: {  	[sflag:s12] =	ssyncset.done $0x0  }
0xba: {  	[sflag:s12] =	ssyncadd.s32 $0xFFFFEC00  }
0xbb: {  	_ =	swait.ge [sflag:s12], $0x1400  }
0xbc: {  	[sflag:s12] =	ssyncset.done $0x0  }
0xbd: {  	[sflag:s12] =	ssyncadd.s32 $0xFFFFEC00  }
0xbe: {  	_ =	swait.ge [sflag:s12], $0x1400  }
0xbf: {  	[sflag:s12] =	ssyncset.done $0x0  }
0xc0: {  	[sflag:s12] =	ssyncadd.s32 $0xFFFFEC00  }
0xc1: {  	_ =	swait.ge [sflag:s12], $0x1400  }
0xc2: {  	[sflag:s12] =	ssyncset.done $0x0  }
0xc3: {  	[sflag:s12] =	ssyncadd.s32 $0xFFFFEC00  }
0xc4: {  	_ =	swait.ge [sflag:s12], $0x1400  }
0xc5: {  	[sflag:s12] =	ssyncset.done $0x0  }
0xc6: {  	[sflag:s12] =	ssyncadd.s32 $0xFFFFEC00  }
0xc7: {  	_ =	swait.ge [sflag:s12], $0x1400  }
0xc8: {  	[sflag:s12] =	ssyncset.done $0x0  }
0xc9: {  	[sflag:s12] =	ssyncadd.s32 $0xFFFFEC00  }
0xca: {  	_ =	swait.ge [sflag:s12], $0x1400  }
0xcb: {  	[sflag:s12] =	ssyncset.done $0x0  }
0xcc: {  	[sflag:s12] =	ssyncadd.s32 $0xFFFFEC00  }
0xcd: {  	_ =	swait.ge [sflag:s12], $0x1400  }
0xce: {  	[sflag:s12] =	ssyncset.done $0x0  }
0xcf: {  	[sflag:s12] =	ssyncadd.s32 $0xFFFFEC00  }
0xd0: {  	_ =	swait.ge [sflag:s12], $0x1400  }
0xd1: {  	[sflag:s12] =	ssyncset.done $0x0  }
0xd2: {  	[sflag:s12] =	ssyncadd.s32 $0xFFFFEC00  }
0xd3: {  	_ =	swait.ge [sflag:s12], $0x1400  }
0xd4: {  	[sflag:s12] =	ssyncset.done $0x0  }
0xd5: {  	[sflag:s12] =	ssyncadd.s32 $0xFFFFEC00  }
0xd6: {  	_ =	swait.ge [sflag:s12], $0x1400  }
0xd7: {  	[sflag:s12] =	ssyncset.done $0x0  }
0xd8: {  	[sflag:s12] =	ssyncadd.s32 $0xFFFFEC00  }
0xd9: {  	_ =	swait.ge [sflag:s12], $0x1400  }
0xda: {  	[sflag:s12] =	ssyncset.done $0x0  }
0xdb: {  	[sflag:s12] =	ssyncadd.s32 $0xFFFFEC00  }
0xdc: {  	_ =	swait.ge [sflag:s12], $0x1400  }
0xdd: {  	[sflag:s12] =	ssyncset.done $0x0  }
0xde: {  	[sflag:s12] =	ssyncadd.s32 $0xFFFFEC00  }
0xdf: {  	_ =	swait.ge [sflag:s12], $0x1400  }
0xe0: {  	[sflag:s12] =	ssyncset.done $0x0  }
0xe1: {  	[sflag:s12] =	ssyncadd.s32 $0xFFFFEC00  }
0xe2: {  	_ =	swait.ge [sflag:s12], $0x1400  }
0xe3: {  	[sflag:s12] =	ssyncset.done $0x0  }
0xe4: {  	[sflag:s12] =	ssyncadd.s32 $0xFFFFEC00  }
0xe5: {  	_ =	swait.ge [sflag:s12], $0x1400  }
0xe6: {  	[sflag:s12] =	ssyncset.done $0x0  }
0xe7: {  	[sflag:s12] =	ssyncadd.s32 $0xFFFFEC00  }
0xe8: {  	_ =	swait.ge [sflag:s12], $0x1400  }
0xe9: {  	[sflag:s12] =	ssyncset.done $0x0  }
0xea: {  	[sflag:s12] =	ssyncadd.s32 $0xFFFFEC00  }
0xeb: {  	_ =	swait.ge [sflag:s12], $0x1400  }
0xec: {  	[sflag:s12] =	ssyncset.done $0x0  }
0xed: {  	[sflag:s12] =	ssyncadd.s32 $0xFFFFEC00  }
0xee: {  	_ =	swait.ge [sflag:s12], $0x1400  }
0xef: {  	[sflag:s12] =	ssyncset.done $0x0  }
0xf0: {  	[sflag:s12] =	ssyncadd.s32 $0xFFFFEC00  }
.LBB2_7:
0xf1: {  	[bflag:$0x0] =	sbarrier.arrive $0xFFFF  }
0xf2: {  	_ =	swait.ge [sflag:s13], $0x2800  }
0xf3: {  	[sflag:s13] =	ssyncset.done $0x0  }
0xf4: {  	[sflag:s13] =	ssyncadd.s32 $0xFFFFD800  }
0xf5: {  	[spmem:s3] =	stream.indirect.scatter.add.f32 [tilespmem:s0], [sflag:$0x7], $0x80, s16, s31, $0xb8;
	[tilespmem:$0x1F200] =	vst v63  }
0xf6: {  	_ =	swait.ge [sflag:s14], $0x80  }
0xf7: {  	[sflag:s14] =	ssyncset.done $0x0  }
0xf8: {  	[sflag:s14] =	ssyncadd.s32 $0xFFFFFF80  }
0xf9: {  	[tilespmem:s28], [sflag:$0x3] =	stream.indirect.gather [hbm4b:s2+s31], $0x80, s9, s31, $0xb8;
	[tilespmem:$0x1F200] =	vst v63  }
0xfa: {  	_ = 	snop  }
0xfb: {  	[tilespmem:s5], [sflag:$0x4] =	stream.linear.gather [hbm4b:s17+s5], $0x80, $0x38;
	[tilespmem:$0x1F200] =	vst v63  }
0xfc: {  	_ =	swait.ge [sflag:s4], $0x2800  }
0xfd: {  	[sflag:s4] =	ssyncset.done $0x0  }
0xfe: {  	s15 =	simm.s32 $0x200;
	[sflag:s4] =	ssyncadd.s32 $0xFFFFD800  }
0xff: {  	[spmem:s3] =	stream.indirect.scatter.add.f32 [tilespmem:s11], [sflag:$0x8], $0x80, s15, s31, $0xb8;
	[tilespmem:$0x1F200] =	vst v63  }
0x100: {  	_ =	swait.ge [sflag:s12], $0x2800  }
0x101: {  	[sflag:s12] =	ssyncset.done $0x0  }
0x102: {  	[sflag:s12] =	ssyncadd.s32 $0xFFFFD800  }
0x103: {  	_ =	swait.ge [sflag:s19], $0x80  }
0x104: {  	[sflag:s19] =	ssyncset.done $0x0  }
0x105: {  	[sflag:s19] =	ssyncadd.s32 $0xFFFFFF80  }
0x106: {  	[tilespmem:s0], [sflag:$0x1] =	stream.indirect.gather [hbm4b:s2+s31], $0x80, s5, s31, $0xb8;
	[tilespmem:$0x1F200] =	vst v63  }
0x107: {  	_ = 	snop  }
0x108: {  	[tilespmem:s8], [sflag:$0x5] =	stream.linear.gather [hbm4b:s18+s5], $0x80, $0x38;
	[tilespmem:$0x1F200] =	vst v63  }
0x109: {  	_ =	swait.ge [sflag:s21], $0x2800  }
0x10a: {  	[sflag:s21] =	ssyncset.done $0x0  }
0x10b: {  	s29 =	simm.s32 $0x280;
	[sflag:s21] =	ssyncadd.s32 $0xFFFFD800  }
0x10c: {  	[spmem:s3] =	stream.indirect.scatter.add.f32 [tilespmem:s28], [sflag:$0x9], $0x80, s29, s31, $0xb8;
	[tilespmem:$0x1F200] =	vst v63  }
0x10d: {  	_ =	swait.ge [sflag:s22], $0x2800  }
0x10e: {  	[sflag:s22] =	ssyncset.done $0x0  }
0x10f: {  	[sflag:s22] =	ssyncadd.s32 $0xFFFFD800  }
0x110: {  	_ =	swait.ge [sflag:s10], $0x80  }
0x111: {  	[sflag:s10] =	ssyncset.done $0x0  }
0x112: {  	[sflag:s10] =	ssyncadd.s32 $0xFFFFFF80  }
0x113: {  	[tilespmem:s11], [sflag:$0x2] =	stream.indirect.gather [hbm4b:s2+s31], $0x80, s8, s31, $0xb8;
	[tilespmem:$0x1F200] =	vst v63  }
0x114: {  	s25 =	simm.s32 $0x400;
	s15 =	simm.s32 $0x400  }
0x115: {  	[tilespmem:s9], [sflag:$0x6] =	stream.linear.gather [hbm4b:s26+s5], $0x80, $0x38;
	[tilespmem:$0x1F200] =	vst v63  }
.LBB2_8:
0x116: {  	_ =	swait.ge [sflag:s13], $0x2800  }
0x117: {  	[sflag:s13] =	ssyncset.done $0x0  }
0x118: {  	s29 =	sadd.s32 $0xFFFFFF00, s15;
	[sflag:s13] =	ssyncadd.s32 $0xFFFFD800  }
0x119: {  	[spmem:s3] =	stream.indirect.scatter.add.f32 [tilespmem:s0], [sflag:$0x7], $0x80, s29, s31, $0xb8;
	[tilespmem:$0x1F200] =	vst v63  }
0x11a: {  	_ =	swait.ge [sflag:s23], $0x2800  }
0x11b: {  	s29 =	sadd.s32 $0xFFFFFF00, s25;
	[sflag:s23] =	ssyncset.done $0x0  }
0x11c: {  	s16 =	sand.u32 $0xFC00, s29;
	[sflag:s23] =	ssyncadd.s32 $0xFFFFD800  }
0x11d: {  	s29 =	sand.u32 $0x380, s29;
	s16 =	sadd.s32 s6, s16;
	_ =	swait.ge [sflag:s14], $0x80  }
0x11e: {  	s16 =	sor.u32 s29, s16;
	[sflag:s14] =	ssyncset.done $0x0  }
0x11f: {  	s16 =	sshrl.u32 s16, $0x3;
	[sflag:s14] =	ssyncadd.s32 $0xFFFFFF80  }
0x120: {  	[tilespmem:s28], [sflag:$0x3] =	stream.indirect.gather [hbm4b:s2+s31], $0x80, s9, s31, $0xb8;
	[tilespmem:$0x1F200] =	vst v63  }
0x121: {  	s16 =	sadd.s32 s1, s16  }
0x122: {  	[tilespmem:s5], [sflag:$0x4] =	stream.linear.gather [hbm4b:s16+s5], $0x80, $0x38;
	[tilespmem:$0x1F200] =	vst v63  }
0x123: {  	_ =	swait.ge [sflag:s4], $0x2800  }
0x124: {  	[sflag:s4] =	ssyncset.done $0x0  }
0x125: {  	s29 =	sadd.s32 $0xFFFFFF80, s15;
	[sflag:s4] =	ssyncadd.s32 $0xFFFFD800  }
0x126: {  	[spmem:s3] =	stream.indirect.scatter.add.f32 [tilespmem:s11], [sflag:$0x8], $0x80, s29, s31, $0xb8;
	[tilespmem:$0x1F200] =	vst v63  }
0x127: {  	_ =	swait.ge [sflag:s12], $0x2800  }
0x128: {  	s16 =	sadd.s32 $0xFFFFFF80, s25;
	[sflag:s12] =	ssyncset.done $0x0  }
0x129: {  	s29 =	sand.u32 $0xFC00, s16;
	[sflag:s12] =	ssyncadd.s32 $0xFFFFD800  }
0x12a: {  	s16 =	sand.u32 $0x380, s16;
	s29 =	sadd.s32 s6, s29;
	_ =	swait.ge [sflag:s19], $0x80  }
0x12b: {  	s16 =	sor.u32 s16, s29;
	[sflag:s19] =	ssyncset.done $0x0  }
0x12c: {  	s16 =	sshrl.u32 s16, $0x3;
	[sflag:s19] =	ssyncadd.s32 $0xFFFFFF80  }
0x12d: {  	[tilespmem:s0], [sflag:$0x1] =	stream.indirect.gather [hbm4b:s2+s31], $0x80, s5, s31, $0xb8;
	[tilespmem:$0x1F200] =	vst v63  }
0x12e: {  	s16 =	sadd.s32 s1, s16  }
0x12f: {  	[tilespmem:s8], [sflag:$0x5] =	stream.linear.gather [hbm4b:s16+s5], $0x80, $0x38;
	[tilespmem:$0x1F200] =	vst v63  }
0x130: {  	_ =	swait.ge [sflag:s21], $0x2800  }
0x131: {  	[sflag:s21] =	ssyncset.done $0x0  }
0x132: {  	[sflag:s21] =	ssyncadd.s32 $0xFFFFD800  }
0x133: {  	[spmem:s3] =	stream.indirect.scatter.add.f32 [tilespmem:s28], [sflag:$0x9], $0x80, s15, s31, $0xb8;
	[tilespmem:$0x1F200] =	vst v63  }
0x134: {  	_ =	swait.ge [sflag:s22], $0x2800  }
0x135: {  	p2 =	seq.s32 s25, $0x3E80;
	[sflag:s22] =	ssyncset.done $0x0  }
.Ltmp5:
0x136: {  	[sflag:s22] =	ssyncadd.s32 $0xFFFFD800;
	(pc) =	sbr.rel @p2 .LBB2_10-.Ltmp5, $4  }
0x137: {  	_ =	swait.ge [sflag:s10], $0x80  }
0x138: {  	[sflag:s10] =	ssyncset.done $0x0  }
0x139: {  	[sflag:s10] =	ssyncadd.s32 $0xFFFFFF80  }
0x13a: {  	[tilespmem:s11], [sflag:$0x2] =	stream.indirect.gather [hbm4b:s2+s31], $0x80, s8, s31, $0xb8;
	[tilespmem:$0x1F200] =	vst v63  }
0x13b: {  	s16 =	sand.u32 $0xFC00, s25  }
.Ltmp6:
0x13c: {  	s29 =	sand.u32 $0x380, s25;
	s16 =	sadd.s32 s6, s16;
	(pc) =	sbr.rel .LBB2_8-.Ltmp6, $4  }
0x13d: {  	s16 =	sor.u32 s29, s16  }
0x13e: {  	s16 =	sshrl.u32 s16, $0x3  }
0x13f: {  	s15 =	sadd.s32 $0x180, s15;
	s25 =	sadd.s32 $0x180, s25;
	s16 =	sadd.s32 s1, s16  }
0x140: {  	[tilespmem:s9], [sflag:$0x6] =	stream.linear.gather [hbm4b:s16+s5], $0x80, $0x38;
	[tilespmem:$0x1F200] =	vst v63  }
.LBB2_11:
0x141: {  	_ =	sfence.sel $0x180000  }
0x142: {  	[bflag:$0x0] =	sbarrier.arrive $0xFFFF  }
0x143: {  	_ =	strace $0x90000047  }
0x144: {  	s0 =	stileid.u32;
	[bflag:$0x2] =	sbarrier.arrive $0xFFFF  }
0x145: {  	p0 =	sne.s32 s0, $0x0;
	s0 =	rddreg [dreg:$0x4]  }
0x146: {  	s0 =	sadd.s32 @!p0 $0x100000, s0  }
0x147: {  	[sflag:s0] =	ssyncadd.tile.s32 @!p0 $0x1;
	_ =	shalt  }
.Lfunc_end2:
_tile_overlayer_lowered:
.L_overlay_start_2:
0x148: {  	(tag) =	ssettag $0x2  }
0x149: {  	s0 =	rddreg [dreg:$0x0];
	s2 =	stileid.u32  }
0x14a: {  	s1 =	rddreg [dreg:$0x1];
	p0 =	sne.s32 s2, $0x0  }
0x14b: {  	s3 =	rddreg [dreg:$0x2];
	[bflag:$0x3] =	sbarrier.arrive $0xFFFF;
	s2 =	simm.s32 @!p0 $0x1C0A  }
0x14c: {  	[timem:s3], [sflag:s2] =	dma.local @!p0 [hbm:s0], s1  }
0x14d: {  	s0 =	simm.s32 @!p0 $0xA  }
0x14e: {  	_ =	swait.ge @!p0 [sflag:s0], s1  }
0x14f: {  	s1 =	ssub.s32 @!p0 $0x0, s1;
	[sflag:s0] =	ssyncset.done @!p0 $0x0  }
0x150: {  	[sflag:s0] =	ssyncadd.s32 @!p0 s1  }
0x151: {  	[bflag:$0x3] =	sbarrier.arrive $0xFFFF  }
0x152: {  	_ =	shalt  }

</sc_bundles>
